<compile_context>
chip_gen: v7x
topology: tpu7x:2x2x1
jax: 0.10.2.dev20260603
libtpu: 0.0.44.dev20260713+nightly
codegen_flags: <defaults>
</compile_context>

<pallas_src>
import functools

import jax
import jax.numpy as jnp
from jax.experimental import pallas as pl
from jax.experimental.pallas import tpu as pltpu

_NL = 30
_NS = 15
_N = 4096
_BK = 256
_BA = 256


def _knn_body(xt_ref, c_ref, idx_ref, d2_ref):
    b = xt_ref.shape[1]
    n = c_ref.shape[0]
    x0 = xt_ref[0:1, :]
    x1 = xt_ref[1:2, :]
    c0 = c_ref[:, 0:1]
    c1 = c_ref[:, 1:2]
    dx = c0 - x0
    dy = c1 - x1
    d2_ref[...] = dx * dx + dy * dy
    iota = jax.lax.broadcasted_iota(jnp.int32, (n, b), 0)
    kiota = jax.lax.broadcasted_iota(jnp.int32, (32, b), 0)

    def body(k, acc):
        d2 = d2_ref[...]
        m = jnp.min(d2, axis=0, keepdims=True)
        j = jnp.min(jnp.where(d2 == m, iota, n), axis=0, keepdims=True)
        acc = jnp.where(kiota == k, j, acc)
        d2_ref[...] = jnp.where(iota == j, jnp.float32(jnp.inf), d2)
        return acc

    acc = jnp.zeros((32, b), jnp.int32)
    idx_ref[...] = jax.lax.fori_loop(0, _NL + 1, body, acc)


def _knn(xt, centers):
    grid = _N // _BK
    idx = pl.pallas_call(
        _knn_body,
        grid=(grid,),
        in_specs=[
            pl.BlockSpec((2, _BK), lambda i: (0, i)),
            pl.BlockSpec((_N, 2), lambda i: (0, 0)),
        ],
        out_specs=pl.BlockSpec((32, _BK), lambda i: (0, i)),
        out_shape=jax.ShapeDtypeStruct((32, _N), jnp.int32),
        scratch_shapes=[pltpu.VMEM((_N, _BK), jnp.float32)],
    )(xt, centers)
    return idx


def _assemble_body(vals_ref, idx_ref, fa_ref):
    b, n = fa_ref.shape
    gi = pl.program_id(0)
    col = jax.lax.broadcasted_iota(jnp.int32, (b, n), 1)
    row = jax.lax.broadcasted_iota(jnp.int32, (b, n), 0) + gi * b
    acc = jnp.where(col == row, jnp.float32(1.0), jnp.float32(0.0))
    for l in range(_NL):
        cl = idx_ref[:, l : l + 1]
        vl = vals_ref[:, l : l + 1]
        acc = acc + jnp.where(col == cl, vl, jnp.float32(0.0))
    fa_ref[...] = acc


def _assemble(vals, idx):
    grid = _N // _BA
    return pl.pallas_call(
        _assemble_body,
        grid=(grid,),
        in_specs=[
            pl.BlockSpec((_BA, 32), lambda i: (i, 0)),
            pl.BlockSpec((_BA, 32), lambda i: (i, 0)),
        ],
        out_specs=pl.BlockSpec((_BA, _N), lambda i: (i, 0)),
        out_shape=jax.ShapeDtypeStruct((_N, _N), jnp.float32),
    )(vals, idx)


@jax.jit
def _run(x, centers, u, R):
    n = _N
    idx_raw = _knn(x.T, centers).T
    idx = jnp.sort(idx_raw[:, 1 : _NL + 1], axis=1)

    tpx = centers[idx]
    sinta = jnp.broadcast_to(
        (jnp.arange(_NS, dtype=x.dtype) / _NS)[None, :], (n, _NS)
    ) * 2.0 * jnp.pi
    maxdm = jnp.max(jnp.sqrt(jnp.sum((x[:, None, :] - tpx) ** 2, axis=-1)))
    rxy = jnp.concatenate(
        [jnp.cos(sinta)[:, :, None], jnp.sin(sinta)[:, :, None]], axis=-1
    )
    c_r = R[:, :, None] * maxdm * rxy
    c = centers[:, None, :] + c_r
    dm = jnp.sqrt(jnp.sum((x[:, None, :] - c) ** 2, axis=-1))[:, None, :]
    dm1 = jnp.transpose(
        jnp.sqrt(jnp.sum((tpx[:, None, :, :] - c[:, :, None, :]) ** 2, axis=-1)),
        (0, 2, 1),
    )
    mfs = jnp.log(dm)
    mfs1 = jnp.log(dm1)
    mfs_pinv = jnp.linalg.pinv(mfs1)
    vals = -jnp.matmul(mfs, mfs_pinv)[:, 0, :]

    pad_i = jnp.full((n, 32 - _NL), n + 7, dtype=jnp.int32)
    pad_v = jnp.zeros((n, 32 - _NL), dtype=jnp.float32)
    idx32 = jnp.concatenate([idx.astype(jnp.int32), pad_i], axis=1)
    vals32 = jnp.concatenate([vals, pad_v], axis=1)

    f_A = _assemble(vals32, idx32)

    un = u[idx, 0]
    f = u[:, 0] + jnp.sum(vals * un, axis=1)
    return f, u[:, 0], f_A


def kernel(x, t, centers, u, R):
    return _run(x, centers, u, R)

# --- scband reference (transcript-rebuilt; emitter-appended) ---
"""Pipeline reference for scband-lmfsnn-71227737637176 (READ-ONLY COPY).

The authoritative reference and input builder live on the scoring server;
editing this copy changes nothing except your own understanding.
"""

import jax, jax.numpy as jnp
import numpy as np

Nl = 30
Ns = 15
R_INIT = 5.0
N = 4096


def setup_inputs(seed: int = 0) -> dict:
    key = jax.random.key(seed)
    k1, k2, k3 = jax.random.split(key, 3)
    x = jax.random.normal(k1, (N, 2), dtype=jnp.float32)
    centers = jax.random.normal(k2, (N, 2), dtype=jnp.float32)
    u = 0.01 * jax.random.normal(k3, (N, 1), dtype=jnp.float32)
    R = jnp.ones((N, 1), dtype=jnp.float32) * R_INIT
    return {"x": x, "t": 0, "centers": centers, "u": u, "R": R}


def _knn_indices(x, centers):
    # KDTree.query(k=Nl+1) -> drop self (nearest), sort indices (local_activate)
    d2 = jnp.sum((x[:, None, :] - centers[None, :, :]) ** 2, axis=-1)
    _, idx = jax.lax.top_k(-d2, Nl + 1)
    idx = jnp.sort(idx[:, 1:], axis=1)
    return idx


def _forward(x, centers, u, R, idx):
    n = centers.shape[0]
    # get_dist
    tpx = centers[idx]  # [N, Nl, 2] gather of neighbor centers
    sinta = jnp.broadcast_to((jnp.arange(Ns, dtype=x.dtype) / Ns)[None, :], (n, Ns)) * 2.0 * jnp.pi
    maxdm = jnp.max(jnp.sqrt(jnp.sum((x[:, None, :] - tpx) ** 2, axis=-1)))
    rxy = jnp.concatenate([jnp.cos(sinta)[:, :, None], jnp.sin(sinta)[:, :, None]], axis=-1)  # [N, Ns, 2]
    # get_A
    c_r = R[:, :, None] * maxdm * rxy  # R:[N,1]->[N,1,1]
    c = centers[:, None, :] + c_r  # [N, Ns, 2] fictitious source circle
    dm = jnp.sqrt(jnp.sum((x[:, None, :] - c) ** 2, axis=-1))[:, None, :]  # [N,1,Ns]
    dm1 = jnp.transpose(jnp.sqrt(jnp.sum((tpx[:, None, :, :] - c[:, :, None, :]) ** 2, axis=-1)), (0, 2, 1))  # [N,Nl,Ns]
    mfs = jnp.log(dm)
    mfs1 = jnp.log(dm1)
    mfs_pinv = jnp.linalg.pinv(mfs1)  # batched SVD pinv [N,Ns,Nl] (rank-thresholded like custom pinv)
    vals = -jnp.matmul(mfs, mfs_pinv)[:, 0, :]  # [N, Nl]
    rows = jnp.broadcast_to(jnp.arange(n)[:, None], (n, Nl))
    f_A0 = jnp.zeros((n, n), dtype=x.dtype).at[rows, idx].set(vals)  # scatter-overwrite
    f_A = jnp.eye(n, dtype=x.dtype) + f_A0
    f = jnp.matmul(f_A, u)
    return f[:, 0], u[:, 0], f_A


def reference(x, t, centers, u, R):
    # t % 5 == 0 (t=0) -> assemble f_A
    idx = _knn_indices(x, centers)
    return _forward(x, centers, u, R, idx)

if __name__ == "__main__":
    import jax
    _d = setup_inputs()
    print(jax.jit(kernel)(*tuple(_d.values())))

</pallas_src>

<mosaic_0001>
module attributes {stable_mosaic.version = 14 : i64} {
  func.func @_knn_body(%arg0: i32, %arg1: memref<2x256xf32, #tpu.memory_space<vmem>>, %arg2: memref<4096x2xf32, #tpu.memory_space<vmem>>, %arg3: memref<32x256xi32, #tpu.memory_space<vmem>>, %arg4: memref<4096x256xf32, #tpu.memory_space<vmem>>) attributes {dimension_semantics = [#tpu.dimension_semantics<arbitrary>], iteration_bounds = array<i64: 16>, scalar_prefetch = 0 : i64, scratch_operands = 1 : i64, tpu.core_type = #tpu.core_type<tc>, window_params = [{transform_indices = @transform_0, window_bounds = array<i64: 2, 256>}, {pipeline_mode = #tpu.pipeline_mode<synchronous>, transform_indices = @transform_1, window_bounds = array<i64: 4096, 2>}, {transform_indices = @transform_2, window_bounds = array<i64: 32, 256>}]} {
    %get3A = arith.constant 0 : index
    %get3A_0 = arith.constant 0 : index
    %get3A_1 = vector.load %arg1[%get3A, %get3A_0] : memref<2x256xf32, #tpu.memory_space<vmem>>, vector<1x256xf32>
    %get3A_2 = arith.constant 1 : index
    %get3A_3 = arith.constant 0 : index
    %get3A_4 = vector.load %arg1[%get3A_2, %get3A_3] : memref<2x256xf32, #tpu.memory_space<vmem>>, vector<1x256xf32>
    %get3A_5 = arith.constant 0 : index
    %get3A_6 = arith.constant 0 : index
    %get3A_7 = vector.load %arg2[%get3A_5, %get3A_6] : memref<4096x2xf32, #tpu.memory_space<vmem>>, vector<4096x1xf32>
    %get3A_8 = arith.constant 0 : index
    %get3A_9 = arith.constant 1 : index
    %get3A_10 = vector.load %arg2[%get3A_8, %get3A_9] : memref<4096x2xf32, #tpu.memory_space<vmem>>, vector<4096x1xf32>
    %sub3A = vector.broadcast %get3A_7 : vector<4096x1xf32> to vector<4096x256xf32>
    %sub3A_11 = vector.broadcast %get3A_1 : vector<1x256xf32> to vector<4096x256xf32>
    %sub3A_12 = arith.subf %sub3A, %sub3A_11 : vector<4096x256xf32>
    %sub3A_13 = vector.broadcast %get3A_10 : vector<4096x1xf32> to vector<4096x256xf32>
    %sub3A_14 = vector.broadcast %get3A_4 : vector<1x256xf32> to vector<4096x256xf32>
    %sub3A_15 = arith.subf %sub3A_13, %sub3A_14 : vector<4096x256xf32>
    %mul3A = arith.mulf %sub3A_12, %sub3A_12 : vector<4096x256xf32>
    %mul3A_16 = arith.mulf %sub3A_15, %sub3A_15 : vector<4096x256xf32>
    %add3A = arith.addf %mul3A, %mul3A_16 : vector<4096x256xf32>
    %swap3A = arith.constant 0 : index
    %swap3A_17 = arith.constant 0 : index
    %swap3A_18 = vector.load %arg4[%swap3A, %swap3A_17] : memref<4096x256xf32, #tpu.memory_space<vmem>>, vector<4096x256xf32>
    tpu.vector_store %arg4[%swap3A, %swap3A_17], %add3A {strides = array<i32>} : memref<4096x256xf32, #tpu.memory_space<vmem>>, vector<4096x256xf32>,
    %iota3A = tpu.iota {dimensions = array<i32: 0>} : vector<4096x256xi32>
    %iota3A_19 = tpu.iota {dimensions = array<i32: 0>} : vector<32x256xi32>
    %broadcast_in_dim3A = arith.constant 0 : i32
    %broadcast_in_dim3A_20 = vector.broadcast %broadcast_in_dim3A : i32 to vector<32x256xi32>
    %scan3A = arith.constant 0 : i32
    %scan3A_21 = arith.constant 31 : i32
    %scan3A_22 = arith.addi %scan3A, %scan3A_21 : i32
    %scan3A_23 = arith.constant 1 : i32
    %scan3A_24 = scf.for %scan3A_29 = %scan3A to %scan3A_22 step %scan3A_23 iter_args(%scan3A_30 = %broadcast_in_dim3A_20) -> (vector<32x256xi32>)  : i32 {
      %get3A_31 = arith.constant 0 : index
      %get3A_32 = arith.constant 0 : index
      %get3A_33 = vector.load %arg4[%get3A_31, %get3A_32] : memref<4096x256xf32, #tpu.memory_space<vmem>>, vector<4096x256xf32>
      %reduce_min3A = arith.constant dense<0x7F800000> : vector<256xf32>
      %reduce_min3A_34 = vector.multi_reduction <minimumf>, %get3A_33, %reduce_min3A [0] : vector<4096x256xf32> to vector<256xf32>
      %broadcast_in_dim3A_35 = vector.shape_cast %reduce_min3A_34 : vector<256xf32> to vector<1x256xf32>
      %eq3A = vector.broadcast %broadcast_in_dim3A_35 : vector<1x256xf32> to vector<4096x256xf32>
      %eq3A_36 = arith.cmpf oeq, %get3A_33, %eq3A : vector<4096x256xf32>
      %jit3A = arith.constant 4096 : i32
      %broadcast_in_dim3A_37 = vector.broadcast %jit3A : i32 to vector<4096x256xi32>
      %select_n3A = arith.select %eq3A_36, %iota3A, %broadcast_in_dim3A_37 : vector<4096x256xi1>, vector<4096x256xi32>
      %reduce_min3A_38 = arith.constant dense<2147483647> : vector<256xi32>
      %reduce_min3A_39 = vector.multi_reduction <minsi>, %select_n3A, %reduce_min3A_38 [0] : vector<4096x256xi32> to vector<256xi32>
      %broadcast_in_dim3A_40 = vector.shape_cast %reduce_min3A_39 : vector<256xi32> to vector<1x256xi32>
      %eq3A_41 = vector.broadcast %scan3A_29 : i32 to vector<32x256xi32>
      %eq3A_42 = arith.cmpi eq, %iota3A_19, %eq3A_41 : vector<32x256xi32>
      %broadcast_in_dim3A_43 = vector.shape_cast %broadcast_in_dim3A_40 : vector<1x256xi32> to vector<1x256xi32>
      %broadcast_in_dim3A_44 = vector.broadcast %broadcast_in_dim3A_43 : vector<1x256xi32> to vector<32x256xi32>
      %select_n3A_45 = arith.select %eq3A_42, %broadcast_in_dim3A_44, %scan3A_30 : vector<32x256xi1>, vector<32x256xi32>
      %eq3A_46 = vector.broadcast %broadcast_in_dim3A_40 : vector<1x256xi32> to vector<4096x256xi32>
      %eq3A_47 = arith.cmpi eq, %iota3A, %eq3A_46 : vector<4096x256xi32>
      %jit3A_48 = arith.constant 0x7F800000 : f32
      %broadcast_in_dim3A_49 = vector.broadcast %jit3A_48 : f32 to vector<4096x256xf32>
      %select_n3A_50 = arith.select %eq3A_47, %broadcast_in_dim3A_49, %get3A_33 : vector<4096x256xi1>, vector<4096x256xf32>
      %swap3A_51 = arith.constant 0 : index
      %swap3A_52 = arith.constant 0 : index
      %swap3A_53 = vector.load %arg4[%swap3A_51, %swap3A_52] : memref<4096x256xf32, #tpu.memory_space<vmem>>, vector<4096x256xf32>
      tpu.vector_store %arg4[%swap3A_51, %swap3A_52], %select_n3A_50 {strides = array<i32>} : memref<4096x256xf32, #tpu.memory_space<vmem>>, vector<4096x256xf32>,
      scf.yield %select_n3A_45 : vector<32x256xi32>
    }
    %scan3A_25 = arith.constant 31 : i32
    %swap3A_26 = arith.constant 0 : index
    %swap3A_27 = arith.constant 0 : index
    %swap3A_28 = vector.load %arg3[%swap3A_26, %swap3A_27] : memref<32x256xi32, #tpu.memory_space<vmem>>, vector<32x256xi32>
    tpu.vector_store %arg3[%swap3A_26, %swap3A_27], %scan3A_24 {strides = array<i32>} : memref<32x256xi32, #tpu.memory_space<vmem>>, vector<32x256xi32>,
    return
  }
  func.func @transform_0(%arg0: i32) -> (i32, i32) {
    %c0_i32 = arith.constant 0 : i32
    %c0_i32_0 = arith.constant 0 : i32
    return %c0_i32, %arg0 : i32, i32
  }
  func.func @transform_1(%arg0: i32) -> (i32, i32) {
    %c0_i32 = arith.constant 0 : i32
    %c0_i32_0 = arith.constant 0 : i32
    %c0_i32_1 = arith.constant 0 : i32
    return %c0_i32, %c0_i32_0 : i32, i32
  }
  func.func @transform_2(%arg0: i32) -> (i32, i32) {
    %c0_i32 = arith.constant 0 : i32
    %c0_i32_0 = arith.constant 0 : i32
    return %c0_i32, %arg0 : i32, i32
  }
}

module attributes {stable_mosaic.version = 14 : i64} {
  func.func @_assemble_body(%arg0: i32, %arg1: memref<256x32xf32, #tpu.memory_space<vmem>>, %arg2: memref<256x32xi32, #tpu.memory_space<vmem>>, %arg3: memref<256x4096xf32, #tpu.memory_space<vmem>>) attributes {dimension_semantics = [#tpu.dimension_semantics<arbitrary>], iteration_bounds = array<i64: 16>, scalar_prefetch = 0 : i64, scratch_operands = 0 : i64, tpu.core_type = #tpu.core_type<tc>, window_params = [{transform_indices = @transform_0, window_bounds = array<i64: 256, 32>}, {transform_indices = @transform_1, window_bounds = array<i64: 256, 32>}, {transform_indices = @transform_2, window_bounds = array<i64: 256, 4096>}]} {
    %iota3A = tpu.iota {dimensions = array<i32: 1>} : vector<256x4096xi32>
    %iota3A_0 = tpu.iota {dimensions = array<i32: 0>} : vector<256x4096xi32>
    %mul3A = arith.constant 256 : i32
    %mul3A_1 = arith.muli %arg0, %mul3A : i32
    %add3A = vector.broadcast %mul3A_1 : i32 to vector<256x4096xi32>
    %add3A_2 = arith.addi %iota3A_0, %add3A : vector<256x4096xi32>
    %eq3A = arith.cmpi eq, %iota3A, %add3A_2 : vector<256x4096xi32>
    %jit3A = arith.constant 1.000000e+00 : f32
    %jit3A_3 = arith.constant 0.000000e+00 : f32
    %broadcast_in_dim3A = vector.broadcast %jit3A : f32 to vector<256x4096xf32>
    %broadcast_in_dim3A_4 = vector.broadcast %jit3A_3 : f32 to vector<256x4096xf32>
    %select_n3A = arith.select %eq3A, %broadcast_in_dim3A, %broadcast_in_dim3A_4 : vector<256x4096xi1>, vector<256x4096xf32>
    %get3A = arith.constant 0 : index
    %get3A_5 = arith.constant 0 : index
    %get3A_6 = vector.load %arg2[%get3A, %get3A_5] : memref<256x32xi32, #tpu.memory_space<vmem>>, vector<256x1xi32>
    %get3A_7 = arith.constant 0 : index
    %get3A_8 = arith.constant 0 : index
    %get3A_9 = vector.load %arg1[%get3A_7, %get3A_8] : memref<256x32xf32, #tpu.memory_space<vmem>>, vector<256x1xf32>
    %eq3A_10 = vector.broadcast %get3A_6 : vector<256x1xi32> to vector<256x4096xi32>
    %eq3A_11 = arith.cmpi eq, %iota3A, %eq3A_10 : vector<256x4096xi32>
    %jit3A_12 = arith.constant 0.000000e+00 : f32
    %broadcast_in_dim3A_13 = vector.shape_cast %get3A_9 : vector<256x1xf32> to vector<256x1xf32>
    %broadcast_in_dim3A_14 = vector.broadcast %broadcast_in_dim3A_13 : vector<256x1xf32> to vector<256x4096xf32>
    %broadcast_in_dim3A_15 = vector.broadcast %jit3A_12 : f32 to vector<256x4096xf32>
    %select_n3A_16 = arith.select %eq3A_11, %broadcast_in_dim3A_14, %broadcast_in_dim3A_15 : vector<256x4096xi1>, vector<256x4096xf32>
    %add3A_17 = arith.addf %select_n3A, %select_n3A_16 : vector<256x4096xf32>
    %get3A_18 = arith.constant 0 : index
    %get3A_19 = arith.constant 1 : index
    %get3A_20 = vector.load %arg2[%get3A_18, %get3A_19] : memref<256x32xi32, #tpu.memory_space<vmem>>, vector<256x1xi32>
    %get3A_21 = arith.constant 0 : index
    %get3A_22 = arith.constant 1 : index
    %get3A_23 = vector.load %arg1[%get3A_21, %get3A_22] : memref<256x32xf32, #tpu.memory_space<vmem>>, vector<256x1xf32>
    %eq3A_24 = vector.broadcast %get3A_20 : vector<256x1xi32> to vector<256x4096xi32>
    %eq3A_25 = arith.cmpi eq, %iota3A, %eq3A_24 : vector<256x4096xi32>
    %jit3A_26 = arith.constant 0.000000e+00 : f32
    %broadcast_in_dim3A_27 = vector.shape_cast %get3A_23 : vector<256x1xf32> to vector<256x1xf32>
    %broadcast_in_dim3A_28 = vector.broadcast %broadcast_in_dim3A_27 : vector<256x1xf32> to vector<256x4096xf32>
    %broadcast_in_dim3A_29 = vector.broadcast %jit3A_26 : f32 to vector<256x4096xf32>
    %select_n3A_30 = arith.select %eq3A_25, %broadcast_in_dim3A_28, %broadcast_in_dim3A_29 : vector<256x4096xi1>, vector<256x4096xf32>
    %add3A_31 = arith.addf %add3A_17, %select_n3A_30 : vector<256x4096xf32>
    %get3A_32 = arith.constant 0 : index
    %get3A_33 = arith.constant 2 : index
    %get3A_34 = vector.load %arg2[%get3A_32, %get3A_33] : memref<256x32xi32, #tpu.memory_space<vmem>>, vector<256x1xi32>
    %get3A_35 = arith.constant 0 : index
    %get3A_36 = arith.constant 2 : index
    %get3A_37 = vector.load %arg1[%get3A_35, %get3A_36] : memref<256x32xf32, #tpu.memory_space<vmem>>, vector<256x1xf32>
    %eq3A_38 = vector.broadcast %get3A_34 : vector<256x1xi32> to vector<256x4096xi32>
    %eq3A_39 = arith.cmpi eq, %iota3A, %eq3A_38 : vector<256x4096xi32>
    %jit3A_40 = arith.constant 0.000000e+00 : f32
    %broadcast_in_dim3A_41 = vector.shape_cast %get3A_37 : vector<256x1xf32> to vector<256x1xf32>
    %broadcast_in_dim3A_42 = vector.broadcast %broadcast_in_dim3A_41 : vector<256x1xf32> to vector<256x4096xf32>
    %broadcast_in_dim3A_43 = vector.broadcast %jit3A_40 : f32 to vector<256x4096xf32>
    %select_n3A_44 = arith.select %eq3A_39, %broadcast_in_dim3A_42, %broadcast_in_dim3A_43 : vector<256x4096xi1>, vector<256x4096xf32>
    %add3A_45 = arith.addf %add3A_31, %select_n3A_44 : vector<256x4096xf32>
    %get3A_46 = arith.constant 0 : index
    %get3A_47 = arith.constant 3 : index
    %get3A_48 = vector.load %arg2[%get3A_46, %get3A_47] : memref<256x32xi32, #tpu.memory_space<vmem>>, vector<256x1xi32>
    %get3A_49 = arith.constant 0 : index
    %get3A_50 = arith.constant 3 : index
    %get3A_51 = vector.load %arg1[%get3A_49, %get3A_50] : memref<256x32xf32, #tpu.memory_space<vmem>>, vector<256x1xf32>
    %eq3A_52 = vector.broadcast %get3A_48 : vector<256x1xi32> to vector<256x4096xi32>
    %eq3A_53 = arith.cmpi eq, %iota3A, %eq3A_52 : vector<256x4096xi32>
    %jit3A_54 = arith.constant 0.000000e+00 : f32
    %broadcast_in_dim3A_55 = vector.shape_cast %get3A_51 : vector<256x1xf32> to vector<256x1xf32>
    %broadcast_in_dim3A_56 = vector.broadcast %broadcast_in_dim3A_55 : vector<256x1xf32> to vector<256x4096xf32>
    %broadcast_in_dim3A_57 = vector.broadcast %jit3A_54 : f32 to vector<256x4096xf32>
    %select_n3A_58 = arith.select %eq3A_53, %broadcast_in_dim3A_56, %broadcast_in_dim3A_57 : vector<256x4096xi1>, vector<256x4096xf32>
    %add3A_59 = arith.addf %add3A_45, %select_n3A_58 : vector<256x4096xf32>
    %get3A_60 = arith.constant 0 : index
    %get3A_61 = arith.constant 4 : index
    %get3A_62 = vector.load %arg2[%get3A_60, %get3A_61] : memref<256x32xi32, #tpu.memory_space<vmem>>, vector<256x1xi32>
    %get3A_63 = arith.constant 0 : index
    %get3A_64 = arith.constant 4 : index
    %get3A_65 = vector.load %arg1[%get3A_63, %get3A_64] : memref<256x32xf32, #tpu.memory_space<vmem>>, vector<256x1xf32>
    %eq3A_66 = vector.broadcast %get3A_62 : vector<256x1xi32> to vector<256x4096xi32>
    %eq3A_67 = arith.cmpi eq, %iota3A, %eq3A_66 : vector<256x4096xi32>
    %jit3A_68 = arith.constant 0.000000e+00 : f32
    %broadcast_in_dim3A_69 = vector.shape_cast %get3A_65 : vector<256x1xf32> to vector<256x1xf32>
    %broadcast_in_dim3A_70 = vector.broadcast %broadcast_in_dim3A_69 : vector<256x1xf32> to vector<256x4096xf32>
    %broadcast_in_dim3A_71 = vector.broadcast %jit3A_68 : f32 to vector<256x4096xf32>
    %select_n3A_72 = arith.select %eq3A_67, %broadcast_in_dim3A_70, %broadcast_in_dim3A_71 : vector<256x4096xi1>, vector<256x4096xf32>
    %add3A_73 = arith.addf %add3A_59, %select_n3A_72 : vector<256x4096xf32>
    %get3A_74 = arith.constant 0 : index
    %get3A_75 = arith.constant 5 : index
    %get3A_76 = vector.load %arg2[%get3A_74, %get3A_75] : memref<256x32xi32, #tpu.memory_space<vmem>>, vector<256x1xi32>
    %get3A_77 = arith.constant 0 : index
    %get3A_78 = arith.constant 5 : index
    %get3A_79 = vector.load %arg1[%get3A_77, %get3A_78] : memref<256x32xf32, #tpu.memory_space<vmem>>, vector<256x1xf32>
    %eq3A_80 = vector.broadcast %get3A_76 : vector<256x1xi32> to vector<256x4096xi32>
    %eq3A_81 = arith.cmpi eq, %iota3A, %eq3A_80 : vector<256x4096xi32>
    %jit3A_82 = arith.constant 0.000000e+00 : f32
    %broadcast_in_dim3A_83 = vector.shape_cast %get3A_79 : vector<256x1xf32> to vector<256x1xf32>
    %broadcast_in_dim3A_84 = vector.broadcast %broadcast_in_dim3A_83 : vector<256x1xf32> to vector<256x4096xf32>
    %broadcast_in_dim3A_85 = vector.broadcast %jit3A_82 : f32 to vector<256x4096xf32>
    %select_n3A_86 = arith.select %eq3A_81, %broadcast_in_dim3A_84, %broadcast_in_dim3A_85 : vector<256x4096xi1>, vector<256x4096xf32>
    %add3A_87 = arith.addf %add3A_73, %select_n3A_86 : vector<256x4096xf32>
    %get3A_88 = arith.constant 0 : index
    %get3A_89 = arith.constant 6 : index
    %get3A_90 = vector.load %arg2[%get3A_88, %get3A_89] : memref<256x32xi32, #tpu.memory_space<vmem>>, vector<256x1xi32>
    %get3A_91 = arith.constant 0 : index
    %get3A_92 = arith.constant 6 : index
    %get3A_93 = vector.load %arg1[%get3A_91, %get3A_92] : memref<256x32xf32, #tpu.memory_space<vmem>>, vector<256x1xf32>
    %eq3A_94 = vector.broadcast %get3A_90 : vector<256x1xi32> to vector<256x4096xi32>
    %eq3A_95 = arith.cmpi eq, %iota3A, %eq3A_94 : vector<256x4096xi32>
    %jit3A_96 = arith.constant 0.000000e+00 : f32
    %broadcast_in_dim3A_97 = vector.shape_cast %get3A_93 : vector<256x1xf32> to vector<256x1xf32>
    %broadcast_in_dim3A_98 = vector.broadcast %broadcast_in_dim3A_97 : vector<256x1xf32> to vector<256x4096xf32>
    %broadcast_in_dim3A_99 = vector.broadcast %jit3A_96 : f32 to vector<256x4096xf32>
    %select_n3A_100 = arith.select %eq3A_95, %broadcast_in_dim3A_98, %broadcast_in_dim3A_99 : vector<256x4096xi1>, vector<256x4096xf32>
    %add3A_101 = arith.addf %add3A_87, %select_n3A_100 : vector<256x4096xf32>
    %get3A_102 = arith.constant 0 : index
    %get3A_103 = arith.constant 7 : index
    %get3A_104 = vector.load %arg2[%get3A_102, %get3A_103] : memref<256x32xi32, #tpu.memory_space<vmem>>, vector<256x1xi32>
    %get3A_105 = arith.constant 0 : index
    %get3A_106 = arith.constant 7 : index
    %get3A_107 = vector.load %arg1[%get3A_105, %get3A_106] : memref<256x32xf32, #tpu.memory_space<vmem>>, vector<256x1xf32>
    %eq3A_108 = vector.broadcast %get3A_104 : vector<256x1xi32> to vector<256x4096xi32>
    %eq3A_109 = arith.cmpi eq, %iota3A, %eq3A_108 : vector<256x4096xi32>
    %jit3A_110 = arith.constant 0.000000e+00 : f32
    %broadcast_in_dim3A_111 = vector.shape_cast %get3A_107 : vector<256x1xf32> to vector<256x1xf32>
    %broadcast_in_dim3A_112 = vector.broadcast %broadcast_in_dim3A_111 : vector<256x1xf32> to vector<256x4096xf32>
    %broadcast_in_dim3A_113 = vector.broadcast %jit3A_110 : f32 to vector<256x4096xf32>
    %select_n3A_114 = arith.select %eq3A_109, %broadcast_in_dim3A_112, %broadcast_in_dim3A_113 : vector<256x4096xi1>, vector<256x4096xf32>
    %add3A_115 = arith.addf %add3A_101, %select_n3A_114 : vector<256x4096xf32>
    %get3A_116 = arith.constant 0 : index
    %get3A_117 = arith.constant 8 : index
    %get3A_118 = vector.load %arg2[%get3A_116, %get3A_117] : memref<256x32xi32, #tpu.memory_space<vmem>>, vector<256x1xi32>
    %get3A_119 = arith.constant 0 : index
    %get3A_120 = arith.constant 8 : index
    %get3A_121 = vector.load %arg1[%get3A_119, %get3A_120] : memref<256x32xf32, #tpu.memory_space<vmem>>, vector<256x1xf32>
    %eq3A_122 = vector.broadcast %get3A_118 : vector<256x1xi32> to vector<256x4096xi32>
    %eq3A_123 = arith.cmpi eq, %iota3A, %eq3A_122 : vector<256x4096xi32>
    %jit3A_124 = arith.constant 0.000000e+00 : f32
    %broadcast_in_dim3A_125 = vector.shape_cast %get3A_121 : vector<256x1xf32> to vector<256x1xf32>
    %broadcast_in_dim3A_126 = vector.broadcast %broadcast_in_dim3A_125 : vector<256x1xf32> to vector<256x4096xf32>
    %broadcast_in_dim3A_127 = vector.broadcast %jit3A_124 : f32 to vector<256x4096xf32>
    %select_n3A_128 = arith.select %eq3A_123, %broadcast_in_dim3A_126, %broadcast_in_dim3A_127 : vector<256x4096xi1>, vector<256x4096xf32>
    %add3A_129 = arith.addf %add3A_115, %select_n3A_128 : vector<256x4096xf32>
    %get3A_130 = arith.constant 0 : index
    %get3A_131 = arith.constant 9 : index
    %get3A_132 = vector.load %arg2[%get3A_130, %get3A_131] : memref<256x32xi32, #tpu.memory_space<vmem>>, vector<256x1xi32>
    %get3A_133 = arith.constant 0 : index
    %get3A_134 = arith.constant 9 : index
    %get3A_135 = vector.load %arg1[%get3A_133, %get3A_134] : memref<256x32xf32, #tpu.memory_space<vmem>>, vector<256x1xf32>
    %eq3A_136 = vector.broadcast %get3A_132 : vector<256x1xi32> to vector<256x4096xi32>
    %eq3A_137 = arith.cmpi eq, %iota3A, %eq3A_136 : vector<256x4096xi32>
    %jit3A_138 = arith.constant 0.000000e+00 : f32
    %broadcast_in_dim3A_139 = vector.shape_cast %get3A_135 : vector<256x1xf32> to vector<256x1xf32>
    %broadcast_in_dim3A_140 = vector.broadcast %broadcast_in_dim3A_139 : vector<256x1xf32> to vector<256x4096xf32>
    %broadcast_in_dim3A_141 = vector.broadcast %jit3A_138 : f32 to vector<256x4096xf32>
    %select_n3A_142 = arith.select %eq3A_137, %broadcast_in_dim3A_140, %broadcast_in_dim3A_141 : vector<256x4096xi1>, vector<256x4096xf32>
    %add3A_143 = arith.addf %add3A_129, %select_n3A_142 : vector<256x4096xf32>
    %get3A_144 = arith.constant 0 : index
    %get3A_145 = arith.constant 10 : index
    %get3A_146 = vector.load %arg2[%get3A_144, %get3A_145] : memref<256x32xi32, #tpu.memory_space<vmem>>, vector<256x1xi32>
    %get3A_147 = arith.constant 0 : index
    %get3A_148 = arith.constant 10 : index
    %get3A_149 = vector.load %arg1[%get3A_147, %get3A_148] : memref<256x32xf32, #tpu.memory_space<vmem>>, vector<256x1xf32>
    %eq3A_150 = vector.broadcast %get3A_146 : vector<256x1xi32> to vector<256x4096xi32>
    %eq3A_151 = arith.cmpi eq, %iota3A, %eq3A_150 : vector<256x4096xi32>
    %jit3A_152 = arith.constant 0.000000e+00 : f32
    %broadcast_in_dim3A_153 = vector.shape_cast %get3A_149 : vector<256x1xf32> to vector<256x1xf32>
    %broadcast_in_dim3A_154 = vector.broadcast %broadcast_in_dim3A_153 : vector<256x1xf32> to vector<256x4096xf32>
    %broadcast_in_dim3A_155 = vector.broadcast %jit3A_152 : f32 to vector<256x4096xf32>
    %select_n3A_156 = arith.select %eq3A_151, %broadcast_in_dim3A_154, %broadcast_in_dim3A_155 : vector<256x4096xi1>, vector<256x4096xf32>
    %add3A_157 = arith.addf %add3A_143, %select_n3A_156 : vector<256x4096xf32>
    %get3A_158 = arith.constant 0 : index
    %get3A_159 = arith.constant 11 : index
    %get3A_160 = vector.load %arg2[%get3A_158, %get3A_159] : memref<256x32xi32, #tpu.memory_space<vmem>>, vector<256x1xi32>
    %get3A_161 = arith.constant 0 : index
    %get3A_162 = arith.constant 11 : index
    %get3A_163 = vector.load %arg1[%get3A_161, %get3A_162] : memref<256x32xf32, #tpu.memory_space<vmem>>, vector<256x1xf32>
    %eq3A_164 = vector.broadcast %get3A_160 : vector<256x1xi32> to vector<256x4096xi32>
    %eq3A_165 = arith.cmpi eq, %iota3A, %eq3A_164 : vector<256x4096xi32>
    %jit3A_166 = arith.constant 0.000000e+00 : f32
    %broadcast_in_dim3A_167 = vector.shape_cast %get3A_163 : vector<256x1xf32> to vector<256x1xf32>
    %broadcast_in_dim3A_168 = vector.broadcast %broadcast_in_dim3A_167 : vector<256x1xf32> to vector<256x4096xf32>
    %broadcast_in_dim3A_169 = vector.broadcast %jit3A_166 : f32 to vector<256x4096xf32>
    %select_n3A_170 = arith.select %eq3A_165, %broadcast_in_dim3A_168, %broadcast_in_dim3A_169 : vector<256x4096xi1>, vector<256x4096xf32>
    %add3A_171 = arith.addf %add3A_157, %select_n3A_170 : vector<256x4096xf32>
    %get3A_172 = arith.constant 0 : index
    %get3A_173 = arith.constant 12 : index
    %get3A_174 = vector.load %arg2[%get3A_172, %get3A_173] : memref<256x32xi32, #tpu.memory_space<vmem>>, vector<256x1xi32>
    %get3A_175 = arith.constant 0 : index
    %get3A_176 = arith.constant 12 : index
    %get3A_177 = vector.load %arg1[%get3A_175, %get3A_176] : memref<256x32xf32, #tpu.memory_space<vmem>>, vector<256x1xf32>
    %eq3A_178 = vector.broadcast %get3A_174 : vector<256x1xi32> to vector<256x4096xi32>
    %eq3A_179 = arith.cmpi eq, %iota3A, %eq3A_178 : vector<256x4096xi32>
    %jit3A_180 = arith.constant 0.000000e+00 : f32
    %broadcast_in_dim3A_181 = vector.shape_cast %get3A_177 : vector<256x1xf32> to vector<256x1xf32>
    %broadcast_in_dim3A_182 = vector.broadcast %broadcast_in_dim3A_181 : vector<256x1xf32> to vector<256x4096xf32>
    %broadcast_in_dim3A_183 = vector.broadcast %jit3A_180 : f32 to vector<256x4096xf32>
    %select_n3A_184 = arith.select %eq3A_179, %broadcast_in_dim3A_182, %broadcast_in_dim3A_183 : vector<256x4096xi1>, vector<256x4096xf32>
    %add3A_185 = arith.addf %add3A_171, %select_n3A_184 : vector<256x4096xf32>
    %get3A_186 = arith.constant 0 : index
    %get3A_187 = arith.constant 13 : index
    %get3A_188 = vector.load %arg2[%get3A_186, %get3A_187] : memref<256x32xi32, #tpu.memory_space<vmem>>, vector<256x1xi32>
    %get3A_189 = arith.constant 0 : index
    %get3A_190 = arith.constant 13 : index
    %get3A_191 = vector.load %arg1[%get3A_189, %get3A_190] : memref<256x32xf32, #tpu.memory_space<vmem>>, vector<256x1xf32>
    %eq3A_192 = vector.broadcast %get3A_188 : vector<256x1xi32> to vector<256x4096xi32>
    %eq3A_193 = arith.cmpi eq, %iota3A, %eq3A_192 : vector<256x4096xi32>
    %jit3A_194 = arith.constant 0.000000e+00 : f32
    %broadcast_in_dim3A_195 = vector.shape_cast %get3A_191 : vector<256x1xf32> to vector<256x1xf32>
    %broadcast_in_dim3A_196 = vector.broadcast %broadcast_in_dim3A_195 : vector<256x1xf32> to vector<256x4096xf32>
    %broadcast_in_dim3A_197 = vector.broadcast %jit3A_194 : f32 to vector<256x4096xf32>
    %select_n3A_198 = arith.select %eq3A_193, %broadcast_in_dim3A_196, %broadcast_in_dim3A_197 : vector<256x4096xi1>, vector<256x4096xf32>
    %add3A_199 = arith.addf %add3A_185, %select_n3A_198 : vector<256x4096xf32>
    %get3A_200 = arith.constant 0 : index
    %get3A_201 = arith.constant 14 : index
    %get3A_202 = vector.load %arg2[%get3A_200, %get3A_201] : memref<256x32xi32, #tpu.memory_space<vmem>>, vector<256x1xi32>
    %get3A_203 = arith.constant 0 : index
    %get3A_204 = arith.constant 14 : index
    %get3A_205 = vector.load %arg1[%get3A_203, %get3A_204] : memref<256x32xf32, #tpu.memory_space<vmem>>, vector<256x1xf32>
    %eq3A_206 = vector.broadcast %get3A_202 : vector<256x1xi32> to vector<256x4096xi32>
    %eq3A_207 = arith.cmpi eq, %iota3A, %eq3A_206 : vector<256x4096xi32>
    %jit3A_208 = arith.constant 0.000000e+00 : f32
    %broadcast_in_dim3A_209 = vector.shape_cast %get3A_205 : vector<256x1xf32> to vector<256x1xf32>
    %broadcast_in_dim3A_210 = vector.broadcast %broadcast_in_dim3A_209 : vector<256x1xf32> to vector<256x4096xf32>
    %broadcast_in_dim3A_211 = vector.broadcast %jit3A_208 : f32 to vector<256x4096xf32>
    %select_n3A_212 = arith.select %eq3A_207, %broadcast_in_dim3A_210, %broadcast_in_dim3A_211 : vector<256x4096xi1>, vector<256x4096xf32>
    %add3A_213 = arith.addf %add3A_199, %select_n3A_212 : vector<256x4096xf32>
    %get3A_214 = arith.constant 0 : index
    %get3A_215 = arith.constant 15 : index
    %get3A_216 = vector.load %arg2[%get3A_214, %get3A_215] : memref<256x32xi32, #tpu.memory_space<vmem>>, vector<256x1xi32>
    %get3A_217 = arith.constant 0 : index
    %get3A_218 = arith.constant 15 : index
    %get3A_219 = vector.load %arg1[%get3A_217, %get3A_218] : memref<256x32xf32, #tpu.memory_space<vmem>>, vector<256x1xf32>
    %eq3A_220 = vector.broadcast %get3A_216 : vector<256x1xi32> to vector<256x4096xi32>
    %eq3A_221 = arith.cmpi eq, %iota3A, %eq3A_220 : vector<256x4096xi32>
    %jit3A_222 = arith.constant 0.000000e+00 : f32
    %broadcast_in_dim3A_223 = vector.shape_cast %get3A_219 : vector<256x1xf32> to vector<256x1xf32>
    %broadcast_in_dim3A_224 = vector.broadcast %broadcast_in_dim3A_223 : vector<256x1xf32> to vector<256x4096xf32>
    %broadcast_in_dim3A_225 = vector.broadcast %jit3A_222 : f32 to vector<256x4096xf32>
    %select_n3A_226 = arith.select %eq3A_221, %broadcast_in_dim3A_224, %broadcast_in_dim3A_225 : vector<256x4096xi1>, vector<256x4096xf32>
    %add3A_227 = arith.addf %add3A_213, %select_n3A_226 : vector<256x4096xf32>
    %get3A_228 = arith.constant 0 : index
    %get3A_229 = arith.constant 16 : index
    %get3A_230 = vector.load %arg2[%get3A_228, %get3A_229] : memref<256x32xi32, #tpu.memory_space<vmem>>, vector<256x1xi32>
    %get3A_231 = arith.constant 0 : index
    %get3A_232 = arith.constant 16 : index
    %get3A_233 = vector.load %arg1[%get3A_231, %get3A_232] : memref<256x32xf32, #tpu.memory_space<vmem>>, vector<256x1xf32>
    %eq3A_234 = vector.broadcast %get3A_230 : vector<256x1xi32> to vector<256x4096xi32>
    %eq3A_235 = arith.cmpi eq, %iota3A, %eq3A_234 : vector<256x4096xi32>
    %jit3A_236 = arith.constant 0.000000e+00 : f32
    %broadcast_in_dim3A_237 = vector.shape_cast %get3A_233 : vector<256x1xf32> to vector<256x1xf32>
    %broadcast_in_dim3A_238 = vector.broadcast %broadcast_in_dim3A_237 : vector<256x1xf32> to vector<256x4096xf32>
    %broadcast_in_dim3A_239 = vector.broadcast %jit3A_236 : f32 to vector<256x4096xf32>
    %select_n3A_240 = arith.select %eq3A_235, %broadcast_in_dim3A_238, %broadcast_in_dim3A_239 : vector<256x4096xi1>, vector<256x4096xf32>
    %add3A_241 = arith.addf %add3A_227, %select_n3A_240 : vector<256x4096xf32>
    %get3A_242 = arith.constant 0 : index
    %get3A_243 = arith.constant 17 : index
    %get3A_244 = vector.load %arg2[%get3A_242, %get3A_243] : memref<256x32xi32, #tpu.memory_space<vmem>>, vector<256x1xi32>
    %get3A_245 = arith.constant 0 : index
    %get3A_246 = arith.constant 17 : index
    %get3A_247 = vector.load %arg1[%get3A_245, %get3A_246] : memref<256x32xf32, #tpu.memory_space<vmem>>, vector<256x1xf32>
    %eq3A_248 = vector.broadcast %get3A_244 : vector<256x1xi32> to vector<256x4096xi32>
    %eq3A_249 = arith.cmpi eq, %iota3A, %eq3A_248 : vector<256x4096xi32>
    %jit3A_250 = arith.constant 0.000000e+00 : f32
    %broadcast_in_dim3A_251 = vector.shape_cast %get3A_247 : vector<256x1xf32> to vector<256x1xf32>
    %broadcast_in_dim3A_252 = vector.broadcast %broadcast_in_dim3A_251 : vector<256x1xf32> to vector<256x4096xf32>
    %broadcast_in_dim3A_253 = vector.broadcast %jit3A_250 : f32 to vector<256x4096xf32>
    %select_n3A_254 = arith.select %eq3A_249, %broadcast_in_dim3A_252, %broadcast_in_dim3A_253 : vector<256x4096xi1>, vector<256x4096xf32>
    %add3A_255 = arith.addf %add3A_241, %select_n3A_254 : vector<256x4096xf32>
    %get3A_256 = arith.constant 0 : index
    %get3A_257 = arith.constant 18 : index
    %get3A_258 = vector.load %arg2[%get3A_256, %get3A_257] : memref<256x32xi32, #tpu.memory_space<vmem>>, vector<256x1xi32>
    %get3A_259 = arith.constant 0 : index
    %get3A_260 = arith.constant 18 : index
    %get3A_261 = vector.load %arg1[%get3A_259, %get3A_260] : memref<256x32xf32, #tpu.memory_space<vmem>>, vector<256x1xf32>
    %eq3A_262 = vector.broadcast %get3A_258 : vector<256x1xi32> to vector<256x4096xi32>
    %eq3A_263 = arith.cmpi eq, %iota3A, %eq3A_262 : vector<256x4096xi32>
    %jit3A_264 = arith.constant 0.000000e+00 : f32
    %broadcast_in_dim3A_265 = vector.shape_cast %get3A_261 : vector<256x1xf32> to vector<256x1xf32>
    %broadcast_in_dim3A_266 = vector.broadcast %broadcast_in_dim3A_265 : vector<256x1xf32> to vector<256x4096xf32>
    %broadcast_in_dim3A_267 = vector.broadcast %jit3A_264 : f32 to vector<256x4096xf32>
    %select_n3A_268 = arith.select %eq3A_263, %broadcast_in_dim3A_266, %broadcast_in_dim3A_267 : vector<256x4096xi1>, vector<256x4096xf32>
    %add3A_269 = arith.addf %add3A_255, %select_n3A_268 : vector<256x4096xf32>
    %get3A_270 = arith.constant 0 : index
    %get3A_271 = arith.constant 19 : index
    %get3A_272 = vector.load %arg2[%get3A_270, %get3A_271] : memref<256x32xi32, #tpu.memory_space<vmem>>, vector<256x1xi32>
    %get3A_273 = arith.constant 0 : index
    %get3A_274 = arith.constant 19 : index
    %get3A_275 = vector.load %arg1[%get3A_273, %get3A_274] : memref<256x32xf32, #tpu.memory_space<vmem>>, vector<256x1xf32>
    %eq3A_276 = vector.broadcast %get3A_272 : vector<256x1xi32> to vector<256x4096xi32>
    %eq3A_277 = arith.cmpi eq, %iota3A, %eq3A_276 : vector<256x4096xi32>
    %jit3A_278 = arith.constant 0.000000e+00 : f32
    %broadcast_in_dim3A_279 = vector.shape_cast %get3A_275 : vector<256x1xf32> to vector<256x1xf32>
    %broadcast_in_dim3A_280 = vector.broadcast %broadcast_in_dim3A_279 : vector<256x1xf32> to vector<256x4096xf32>
    %broadcast_in_dim3A_281 = vector.broadcast %jit3A_278 : f32 to vector<256x4096xf32>
    %select_n3A_282 = arith.select %eq3A_277, %broadcast_in_dim3A_280, %broadcast_in_dim3A_281 : vector<256x4096xi1>, vector<256x4096xf32>
    %add3A_283 = arith.addf %add3A_269, %select_n3A_282 : vector<256x4096xf32>
    %get3A_284 = arith.constant 0 : index
    %get3A_285 = arith.constant 20 : index
    %get3A_286 = vector.load %arg2[%get3A_284, %get3A_285] : memref<256x32xi32, #tpu.memory_space<vmem>>, vector<256x1xi32>
    %get3A_287 = arith.constant 0 : index
    %get3A_288 = arith.constant 20 : index
    %get3A_289 = vector.load %arg1[%get3A_287, %get3A_288] : memref<256x32xf32, #tpu.memory_space<vmem>>, vector<256x1xf32>
    %eq3A_290 = vector.broadcast %get3A_286 : vector<256x1xi32> to vector<256x4096xi32>
    %eq3A_291 = arith.cmpi eq, %iota3A, %eq3A_290 : vector<256x4096xi32>
    %jit3A_292 = arith.constant 0.000000e+00 : f32
    %broadcast_in_dim3A_293 = vector.shape_cast %get3A_289 : vector<256x1xf32> to vector<256x1xf32>
    %broadcast_in_dim3A_294 = vector.broadcast %broadcast_in_dim3A_293 : vector<256x1xf32> to vector<256x4096xf32>
    %broadcast_in_dim3A_295 = vector.broadcast %jit3A_292 : f32 to vector<256x4096xf32>
    %select_n3A_296 = arith.select %eq3A_291, %broadcast_in_dim3A_294, %broadcast_in_dim3A_295 : vector<256x4096xi1>, vector<256x4096xf32>
    %add3A_297 = arith.addf %add3A_283, %select_n3A_296 : vector<256x4096xf32>
    %get3A_298 = arith.constant 0 : index
    %get3A_299 = arith.constant 21 : index
    %get3A_300 = vector.load %arg2[%get3A_298, %get3A_299] : memref<256x32xi32, #tpu.memory_space<vmem>>, vector<256x1xi32>
    %get3A_301 = arith.constant 0 : index
    %get3A_302 = arith.constant 21 : index
    %get3A_303 = vector.load %arg1[%get3A_301, %get3A_302] : memref<256x32xf32, #tpu.memory_space<vmem>>, vector<256x1xf32>
    %eq3A_304 = vector.broadcast %get3A_300 : vector<256x1xi32> to vector<256x4096xi32>
    %eq3A_305 = arith.cmpi eq, %iota3A, %eq3A_304 : vector<256x4096xi32>
    %jit3A_306 = arith.constant 0.000000e+00 : f32
    %broadcast_in_dim3A_307 = vector.shape_cast %get3A_303 : vector<256x1xf32> to vector<256x1xf32>
    %broadcast_in_dim3A_308 = vector.broadcast %broadcast_in_dim3A_307 : vector<256x1xf32> to vector<256x4096xf32>
    %broadcast_in_dim3A_309 = vector.broadcast %jit3A_306 : f32 to vector<256x4096xf32>
    %select_n3A_310 = arith.select %eq3A_305, %broadcast_in_dim3A_308, %broadcast_in_dim3A_309 : vector<256x4096xi1>, vector<256x4096xf32>
    %add3A_311 = arith.addf %add3A_297, %select_n3A_310 : vector<256x4096xf32>
    %get3A_312 = arith.constant 0 : index
    %get3A_313 = arith.constant 22 : index
    %get3A_314 = vector.load %arg2[%get3A_312, %get3A_313] : memref<256x32xi32, #tpu.memory_space<vmem>>, vector<256x1xi32>
    %get3A_315 = arith.constant 0 : index
    %get3A_316 = arith.constant 22 : index
    %get3A_317 = vector.load %arg1[%get3A_315, %get3A_316] : memref<256x32xf32, #tpu.memory_space<vmem>>, vector<256x1xf32>
    %eq3A_318 = vector.broadcast %get3A_314 : vector<256x1xi32> to vector<256x4096xi32>
    %eq3A_319 = arith.cmpi eq, %iota3A, %eq3A_318 : vector<256x4096xi32>
    %jit3A_320 = arith.constant 0.000000e+00 : f32
    %broadcast_in_dim3A_321 = vector.shape_cast %get3A_317 : vector<256x1xf32> to vector<256x1xf32>
    %broadcast_in_dim3A_322 = vector.broadcast %broadcast_in_dim3A_321 : vector<256x1xf32> to vector<256x4096xf32>
    %broadcast_in_dim3A_323 = vector.broadcast %jit3A_320 : f32 to vector<256x4096xf32>
    %select_n3A_324 = arith.select %eq3A_319, %broadcast_in_dim3A_322, %broadcast_in_dim3A_323 : vector<256x4096xi1>, vector<256x4096xf32>
    %add3A_325 = arith.addf %add3A_311, %select_n3A_324 : vector<256x4096xf32>
    %get3A_326 = arith.constant 0 : index
    %get3A_327 = arith.constant 23 : index
    %get3A_328 = vector.load %arg2[%get3A_326, %get3A_327] : memref<256x32xi32, #tpu.memory_space<vmem>>, vector<256x1xi32>
    %get3A_329 = arith.constant 0 : index
    %get3A_330 = arith.constant 23 : index
    %get3A_331 = vector.load %arg1[%get3A_329, %get3A_330] : memref<256x32xf32, #tpu.memory_space<vmem>>, vector<256x1xf32>
    %eq3A_332 = vector.broadcast %get3A_328 : vector<256x1xi32> to vector<256x4096xi32>
    %eq3A_333 = arith.cmpi eq, %iota3A, %eq3A_332 : vector<256x4096xi32>
    %jit3A_334 = arith.constant 0.000000e+00 : f32
    %broadcast_in_dim3A_335 = vector.shape_cast %get3A_331 : vector<256x1xf32> to vector<256x1xf32>
    %broadcast_in_dim3A_336 = vector.broadcast %broadcast_in_dim3A_335 : vector<256x1xf32> to vector<256x4096xf32>
    %broadcast_in_dim3A_337 = vector.broadcast %jit3A_334 : f32 to vector<256x4096xf32>
    %select_n3A_338 = arith.select %eq3A_333, %broadcast_in_dim3A_336, %broadcast_in_dim3A_337 : vector<256x4096xi1>, vector<256x4096xf32>
    %add3A_339 = arith.addf %add3A_325, %select_n3A_338 : vector<256x4096xf32>
    %get3A_340 = arith.constant 0 : index
    %get3A_341 = arith.constant 24 : index
    %get3A_342 = vector.load %arg2[%get3A_340, %get3A_341] : memref<256x32xi32, #tpu.memory_space<vmem>>, vector<256x1xi32>
    %get3A_343 = arith.constant 0 : index
    %get3A_344 = arith.constant 24 : index
    %get3A_345 = vector.load %arg1[%get3A_343, %get3A_344] : memref<256x32xf32, #tpu.memory_space<vmem>>, vector<256x1xf32>
    %eq3A_346 = vector.broadcast %get3A_342 : vector<256x1xi32> to vector<256x4096xi32>
    %eq3A_347 = arith.cmpi eq, %iota3A, %eq3A_346 : vector<256x4096xi32>
    %jit3A_348 = arith.constant 0.000000e+00 : f32
    %broadcast_in_dim3A_349 = vector.shape_cast %get3A_345 : vector<256x1xf32> to vector<256x1xf32>
    %broadcast_in_dim3A_350 = vector.broadcast %broadcast_in_dim3A_349 : vector<256x1xf32> to vector<256x4096xf32>
    %broadcast_in_dim3A_351 = vector.broadcast %jit3A_348 : f32 to vector<256x4096xf32>
    %select_n3A_352 = arith.select %eq3A_347, %broadcast_in_dim3A_350, %broadcast_in_dim3A_351 : vector<256x4096xi1>, vector<256x4096xf32>
    %add3A_353 = arith.addf %add3A_339, %select_n3A_352 : vector<256x4096xf32>
    %get3A_354 = arith.constant 0 : index
    %get3A_355 = arith.constant 25 : index
    %get3A_356 = vector.load %arg2[%get3A_354, %get3A_355] : memref<256x32xi32, #tpu.memory_space<vmem>>, vector<256x1xi32>
    %get3A_357 = arith.constant 0 : index
    %get3A_358 = arith.constant 25 : index
    %get3A_359 = vector.load %arg1[%get3A_357, %get3A_358] : memref<256x32xf32, #tpu.memory_space<vmem>>, vector<256x1xf32>
    %eq3A_360 = vector.broadcast %get3A_356 : vector<256x1xi32> to vector<256x4096xi32>
    %eq3A_361 = arith.cmpi eq, %iota3A, %eq3A_360 : vector<256x4096xi32>
    %jit3A_362 = arith.constant 0.000000e+00 : f32
    %broadcast_in_dim3A_363 = vector.shape_cast %get3A_359 : vector<256x1xf32> to vector<256x1xf32>
    %broadcast_in_dim3A_364 = vector.broadcast %broadcast_in_dim3A_363 : vector<256x1xf32> to vector<256x4096xf32>
    %broadcast_in_dim3A_365 = vector.broadcast %jit3A_362 : f32 to vector<256x4096xf32>
    %select_n3A_366 = arith.select %eq3A_361, %broadcast_in_dim3A_364, %broadcast_in_dim3A_365 : vector<256x4096xi1>, vector<256x4096xf32>
    %add3A_367 = arith.addf %add3A_353, %select_n3A_366 : vector<256x4096xf32>
    %get3A_368 = arith.constant 0 : index
    %get3A_369 = arith.constant 26 : index
    %get3A_370 = vector.load %arg2[%get3A_368, %get3A_369] : memref<256x32xi32, #tpu.memory_space<vmem>>, vector<256x1xi32>
    %get3A_371 = arith.constant 0 : index
    %get3A_372 = arith.constant 26 : index
    %get3A_373 = vector.load %arg1[%get3A_371, %get3A_372] : memref<256x32xf32, #tpu.memory_space<vmem>>, vector<256x1xf32>
    %eq3A_374 = vector.broadcast %get3A_370 : vector<256x1xi32> to vector<256x4096xi32>
    %eq3A_375 = arith.cmpi eq, %iota3A, %eq3A_374 : vector<256x4096xi32>
    %jit3A_376 = arith.constant 0.000000e+00 : f32
    %broadcast_in_dim3A_377 = vector.shape_cast %get3A_373 : vector<256x1xf32> to vector<256x1xf32>
    %broadcast_in_dim3A_378 = vector.broadcast %broadcast_in_dim3A_377 : vector<256x1xf32> to vector<256x4096xf32>
    %broadcast_in_dim3A_379 = vector.broadcast %jit3A_376 : f32 to vector<256x4096xf32>
    %select_n3A_380 = arith.select %eq3A_375, %broadcast_in_dim3A_378, %broadcast_in_dim3A_379 : vector<256x4096xi1>, vector<256x4096xf32>
    %add3A_381 = arith.addf %add3A_367, %select_n3A_380 : vector<256x4096xf32>
    %get3A_382 = arith.constant 0 : index
    %get3A_383 = arith.constant 27 : index
    %get3A_384 = vector.load %arg2[%get3A_382, %get3A_383] : memref<256x32xi32, #tpu.memory_space<vmem>>, vector<256x1xi32>
    %get3A_385 = arith.constant 0 : index
    %get3A_386 = arith.constant 27 : index
    %get3A_387 = vector.load %arg1[%get3A_385, %get3A_386] : memref<256x32xf32, #tpu.memory_space<vmem>>, vector<256x1xf32>
    %eq3A_388 = vector.broadcast %get3A_384 : vector<256x1xi32> to vector<256x4096xi32>
    %eq3A_389 = arith.cmpi eq, %iota3A, %eq3A_388 : vector<256x4096xi32>
    %jit3A_390 = arith.constant 0.000000e+00 : f32
    %broadcast_in_dim3A_391 = vector.shape_cast %get3A_387 : vector<256x1xf32> to vector<256x1xf32>
    %broadcast_in_dim3A_392 = vector.broadcast %broadcast_in_dim3A_391 : vector<256x1xf32> to vector<256x4096xf32>
    %broadcast_in_dim3A_393 = vector.broadcast %jit3A_390 : f32 to vector<256x4096xf32>
    %select_n3A_394 = arith.select %eq3A_389, %broadcast_in_dim3A_392, %broadcast_in_dim3A_393 : vector<256x4096xi1>, vector<256x4096xf32>
    %add3A_395 = arith.addf %add3A_381, %select_n3A_394 : vector<256x4096xf32>
    %get3A_396 = arith.constant 0 : index
    %get3A_397 = arith.constant 28 : index
    %get3A_398 = vector.load %arg2[%get3A_396, %get3A_397] : memref<256x32xi32, #tpu.memory_space<vmem>>, vector<256x1xi32>
    %get3A_399 = arith.constant 0 : index
    %get3A_400 = arith.constant 28 : index
    %get3A_401 = vector.load %arg1[%get3A_399, %get3A_400] : memref<256x32xf32, #tpu.memory_space<vmem>>, vector<256x1xf32>
    %eq3A_402 = vector.broadcast %get3A_398 : vector<256x1xi32> to vector<256x4096xi32>
    %eq3A_403 = arith.cmpi eq, %iota3A, %eq3A_402 : vector<256x4096xi32>
    %jit3A_404 = arith.constant 0.000000e+00 : f32
    %broadcast_in_dim3A_405 = vector.shape_cast %get3A_401 : vector<256x1xf32> to vector<256x1xf32>
    %broadcast_in_dim3A_406 = vector.broadcast %broadcast_in_dim3A_405 : vector<256x1xf32> to vector<256x4096xf32>
    %broadcast_in_dim3A_407 = vector.broadcast %jit3A_404 : f32 to vector<256x4096xf32>
    %select_n3A_408 = arith.select %eq3A_403, %broadcast_in_dim3A_406, %broadcast_in_dim3A_407 : vector<256x4096xi1>, vector<256x4096xf32>
    %add3A_409 = arith.addf %add3A_395, %select_n3A_408 : vector<256x4096xf32>
    %get3A_410 = arith.constant 0 : index
    %get3A_411 = arith.constant 29 : index
    %get3A_412 = vector.load %arg2[%get3A_410, %get3A_411] : memref<256x32xi32, #tpu.memory_space<vmem>>, vector<256x1xi32>
    %get3A_413 = arith.constant 0 : index
    %get3A_414 = arith.constant 29 : index
    %get3A_415 = vector.load %arg1[%get3A_413, %get3A_414] : memref<256x32xf32, #tpu.memory_space<vmem>>, vector<256x1xf32>
    %eq3A_416 = vector.broadcast %get3A_412 : vector<256x1xi32> to vector<256x4096xi32>
    %eq3A_417 = arith.cmpi eq, %iota3A, %eq3A_416 : vector<256x4096xi32>
    %jit3A_418 = arith.constant 0.000000e+00 : f32
    %broadcast_in_dim3A_419 = vector.shape_cast %get3A_415 : vector<256x1xf32> to vector<256x1xf32>
    %broadcast_in_dim3A_420 = vector.broadcast %broadcast_in_dim3A_419 : vector<256x1xf32> to vector<256x4096xf32>
    %broadcast_in_dim3A_421 = vector.broadcast %jit3A_418 : f32 to vector<256x4096xf32>
    %select_n3A_422 = arith.select %eq3A_417, %broadcast_in_dim3A_420, %broadcast_in_dim3A_421 : vector<256x4096xi1>, vector<256x4096xf32>
    %add3A_423 = arith.addf %add3A_409, %select_n3A_422 : vector<256x4096xf32>
    %swap3A = arith.constant 0 : index
    %swap3A_424 = arith.constant 0 : index
    %swap3A_425 = vector.load %arg3[%swap3A, %swap3A_424] : memref<256x4096xf32, #tpu.memory_space<vmem>>, vector<256x4096xf32>
    tpu.vector_store %arg3[%swap3A, %swap3A_424], %add3A_423 {strides = array<i32>} : memref<256x4096xf32, #tpu.memory_space<vmem>>, vector<256x4096xf32>,
    return
  }
  func.func @transform_0(%arg0: i32) -> (i32, i32) {
    %c0_i32 = arith.constant 0 : i32
    %c0_i32_0 = arith.constant 0 : i32
    return %arg0, %c0_i32 : i32, i32
  }
  func.func @transform_1(%arg0: i32) -> (i32, i32) {
    %c0_i32 = arith.constant 0 : i32
    %c0_i32_0 = arith.constant 0 : i32
    return %arg0, %c0_i32 : i32, i32
  }
  func.func @transform_2(%arg0: i32) -> (i32, i32) {
    %c0_i32 = arith.constant 0 : i32
    %c0_i32_0 = arith.constant 0 : i32
    return %arg0, %c0_i32 : i32, i32
  }
}

</mosaic_0001>

<sc_bundles>
// kernel: gather_offload_async_start.1
scs
__scs_entry_jumppad:
0x0: {  	(pc) =	sbr.rel $0x88, $3  }
0x1: {  	(tag) =	ssettag $0x0;
	lr =	simm.s32 $0x1  }
0x2: {  	[smem:$0x3F9D] =	sst lr;
	_ =	strace $0xD0000000  }
0x3: {  	_ = 	snop  }
0x4: {  	_ = 	snop  }
0x5: {  	_ = 	snop  }
0x6: {  	_ = 	snop  }
0x7: {  	_ = 	snop  }
__scs_overlays_trampoline_lowered:
0x8: {  	[smem:$0x3FAC] =	sst s0  }
0x9: {  	[smem:$0x3FAD] =	sst s1  }
0xa: {  	[smem:$0x3FAE] =	sst s2  }
0xb: {  	[smem:$0x3FAF] =	sst s3  }
0xc: {  	[smem:$0x3FB0] =	sst s4  }
0xd: {  	[smem:$0x3FB1] =	sst s5  }
0xe: {  	[smem:$0x3FB2] =	sst s6  }
0xf: {  	[smem:$0x3FB3] =	sst s7  }
0x10: {  	[smem:$0x3FB4] =	sst s8  }
0x11: {  	[smem:$0x3FB5] =	sst s9;
	s0 =	simm.s32 @!p0 $0x0  }
0x12: {  	s1 =	sld [smem:$0x3F9B];
	s0 =	simm.s32 @p0 $0x1  }
0x13: {  	[smem:$0x3FB6] =	sst s0;
	s0 =	simm.s32 @!p1 $0x0  }
0x14: {  	s2 =	sld [smem:$0x3F9A];
	s0 =	simm.s32 @p1 $0x1  }
0x15: {  	[smem:$0x3FB7] =	sst s0;
	s0 =	simm.s32 @!p2 $0x0  }
0x16: {  	s3 =	sld [smem:$0x3FDB];
	s0 =	simm.s32 @p2 $0x1  }
0x17: {  	s4 =	simm.s32 $0x1BF5;
	[smem:$0x3FB9] =	sst s0  }
0x18: {  	s0 =	sld [smem:$0x3F9C];
	_ =	swait.ge [sflag:s4], $0x0  }
0x19: {  	s7 =	sld [smem:$0x3F9D]  }
0x1a: {  	s8 =	sadd.s32 $0xFFFFE003, lr  }
0x1b: {  	s9 =	sadd.s32 $0xFFFFFEF7, lr;
	s5 =	simm.s32 $0xFFFFFFFF;
	p2 =	slt.u32 s8, $0xFFFFF086  }
0x1c: {  	p1 =	slt.u32 s9, $0xF7A;
	s5 =	simm.s32 @!p2 $0x0  }
0x1d: {  	s5 =	simm.s32 @p1 $0x1;
	p0 =	seq.s32 s7, s2  }
0x1e: {  	s7 =	smul.u32 @!p0 $0xF7A, s2;
	p2 =	seq.s32 @!p0 s5, $0x0  }
0x1f: {  	s9 =	smul.u32 $0xF7A, s1;
	s8 =	simm.s32 @!p0 $0x1BF5;
	p2 =	por !p2, p0  }
0x20: {  	[sflag:s8] =	ssyncset.s32 @!p0 $0xFFFFF086;
	s6 =	sadd.s32 @!p0 s3, s7;
	s7 =	simm.s32 @!p0 $0x108  }
0x21: {  	s3 =	sadd.s32 s3, s9;
	s6 =	sadd.s32 @!p0 $0x88, s6;
	s7 =	simm.s32 @p2 $0x1082  }
0x22: {  	[simem:s7], [sflag:s8] =	dma.local @!p0 [hbm:s6], $0xF7A  }
0x23: {  	s9 =	sor.u32 $0xD0000000, s2;
	s6 =	simm.s32 $0x108;
	_ =	swait.ge @!p0 [sflag:s8], $0x0  }
0x24: {  	s3 =	sadd.s32 $0x88, s3;
	s6 =	simm.s32 @!p1 $0x1082;
	[sflag:s4] =	ssyncset.s32 $0xFFFFF086  }
0x25: {  	[simem:s6], [sflag:s4] =	dma.local [hbm:s3], $0xF7A  }
0x26: {  	[smem:$0x3F9D] =	sst s1;
	(tag) =	ssettag s2;
	_ =	strace s9  }
0x27: {  	s1 =	sld [smem:$0x3FAD]  }
0x28: {  	s2 =	sld [smem:$0x3FAE]  }
0x29: {  	s4 =	sld [smem:$0x3FB0]  }
0x2a: {  	p0 =	seq.s32 s5, $0x0;
	s5 =	sld [smem:$0x3FB1]  }
0x2b: {  	s6 =	sld [smem:$0x3FB2]  }
0x2c: {  	s7 =	sld [smem:$0x3FB3]  }
0x2d: {  	s3 =	simm.s32 $0x108;
	s8 =	sld [smem:$0x3FB4]  }
0x2e: {  	s3 =	simm.s32 @!p0 $0x1082;
	s9 =	sld [smem:$0x3FB5]  }
0x2f: {  	lr =	sadd.s32 s0, s3;
	s0 =	sld [smem:$0x3FAC]  }
0x30: {  	s3 =	sld [smem:$0x3FAF]  }
0x31: {  	[smem:$0x3FB8] =	sst s10  }
0x32: {  	s10 =	sld [smem:$0x3FB6];
	_ =	sdelay $0x3  }
0x33: {  	p0 =	seq.s32 s10, $0x1;
	s10 =	sld [smem:$0x3FB8];
	_ =	sdelay $0x3  }
0x34: {  	[smem:$0x3FB8] =	sst s10  }
0x35: {  	s10 =	sld [smem:$0x3FB7];
	_ =	sdelay $0x3  }
0x36: {  	p1 =	seq.s32 s10, $0x1;
	s10 =	sld [smem:$0x3FB8];
	_ =	sdelay $0x3  }
0x37: {  	[smem:$0x3FB8] =	sst s10  }
0x38: {  	s10 =	sld [smem:$0x3FB9]  }
0x39: {  	_ = 	snop;
	(pc) =	sbr.ind lr, $3  }
0x3a: {  	_ = 	snop  }
0x3b: {  	_ = 	snop  }
0x3c: {  	p2 =	seq.s32 s10, $0x1;
	s10 =	sld [smem:$0x3FB8]  }
0x3d: {  	_ =	shalt  }
0x3e: {  	_ =	shalt  }
0x3f: {  	_ =	shalt  }
0x40: {  	_ =	shalt  }
0x41: {  	_ =	shalt  }
0x42: {  	_ =	shalt  }
0x43: {  	_ =	shalt  }
0x44: {  	_ =	shalt  }
0x45: {  	_ =	shalt  }
0x46: {  	_ =	shalt  }
0x47: {  	_ =	shalt  }
0x48: {  	_ =	shalt  }
0x49: {  	_ =	shalt  }
0x4a: {  	_ =	shalt  }
0x4b: {  	_ =	shalt  }
0x4c: {  	_ =	shalt  }
0x4d: {  	_ =	shalt  }
0x4e: {  	_ =	shalt  }
0x4f: {  	_ =	shalt  }
0x50: {  	_ =	shalt  }
0x51: {  	_ =	shalt  }
0x52: {  	_ =	shalt  }
0x53: {  	_ =	shalt  }
0x54: {  	_ =	shalt  }
0x55: {  	_ =	shalt  }
0x56: {  	_ =	shalt  }
0x57: {  	_ =	shalt  }
0x58: {  	_ =	shalt  }
0x59: {  	_ =	shalt  }
0x5a: {  	_ =	shalt  }
0x5b: {  	_ =	shalt  }
0x5c: {  	_ =	shalt  }
0x5d: {  	_ =	shalt  }
0x5e: {  	_ =	shalt  }
0x5f: {  	_ =	shalt  }
0x60: {  	_ =	shalt  }
0x61: {  	_ =	shalt  }
0x62: {  	_ =	shalt  }
0x63: {  	_ =	shalt  }
0x64: {  	_ =	shalt  }
0x65: {  	_ =	shalt  }
0x66: {  	_ =	shalt  }
0x67: {  	_ =	shalt  }
0x68: {  	_ =	shalt  }
0x69: {  	_ =	shalt  }
0x6a: {  	_ =	shalt  }
0x6b: {  	_ =	shalt  }
0x6c: {  	_ =	shalt  }
0x6d: {  	_ =	shalt  }
0x6e: {  	_ =	shalt  }
0x6f: {  	_ =	shalt  }
0x70: {  	_ =	shalt  }
0x71: {  	_ =	shalt  }
0x72: {  	_ =	shalt  }
0x73: {  	_ =	shalt  }
0x74: {  	_ =	shalt  }
0x75: {  	_ =	shalt  }
0x76: {  	_ =	shalt  }
0x77: {  	_ =	shalt  }
0x78: {  	_ =	shalt  }
0x79: {  	_ =	shalt  }
0x7a: {  	_ =	shalt  }
0x7b: {  	_ =	shalt  }
0x7c: {  	_ =	shalt  }
0x7d: {  	_ =	shalt  }
0x7e: {  	_ =	shalt  }
0x7f: {  	_ =	shalt  }
0x80: {  	_ =	shalt  }
0x81: {  	_ =	shalt  }
0x82: {  	_ =	shalt  }
0x83: {  	_ =	shalt  }
0x84: {  	_ =	shalt  }
0x85: {  	_ =	shalt  }
0x86: {  	_ =	shalt  }
0x87: {  	_ =	shalt  }
.Lfunc_end0:
.L_simem_size_0:
called_computation.1_lowered:
.L_overlay_start_0:
0x88: {  	s2 =	sld [smem:$0x3FD9]  }
0x89: {  	s3 =	sld [smem:$0x3FFE];
	_ =	sdelay $0x1  }
0x8a: {  	s1 =	srdreg.scid  }
0x8b: {  	s0 =	sand.u32 $0x1, s1  }
0x8c: {  	s16 =	sshll.u32 s0, $0xA;
	s2 =	sadd.s32 s3, s2  }
0x8d: {  	s2 =	sadd.s32 s2, s16  }
0x8e: {  	[smem:$0x3FC4] =	sst s2  }
0x8f: {  	_ = 	snop  }
0x90: {  	(tm) =	ssettm $0x1  }
0x91: {  	s17 =	sld [smem:$0x3FFB];
	_ =	sdelay $0x3  }
0x92: {  	_ =	strace s17  }
0x93: {  	s2 =	sld [smem:$0x3FFC];
	_ =	sdelay $0x3  }
0x94: {  	_ =	strace s2  }
0x95: {  	s2 =	sld [smem:$0x3FFD];
	_ =	sdelay $0x3  }
0x96: {  	_ =	strace s2  }
0x97: {  	_ =	strace $0x8FFFFFFF  }
0x98: {  	s18 =	sld [smem:$0x3FDB];
	_ =	sdelay $0x1  }
0x99: {  	s19 =	simm.s32 $_scs_section_size  }
0x9a: {  	s4 =	simm.s32 $_size__tile_overlayer_lowered;
	s5 =	simm.s32 $_tile_overlayer_lowered  }
0x9b: {  	s22 =	simm.s32 $0x1BFF;
	s21 =	sshll.u32 s5, $0x1;
	s2 =	sadd.s32 s19, s18  }
0x9c: {  	s6 =	simm.s32 $0x0;
	s20 =	sshll.u32 s4, $0x1;
	s4 =	sadd.s32 s21, s2  }
0x9d: {  	[timem:s6], [sflag:s22] =	dma.local [hbm:s4], s20  }
0x9e: {  	_ =	swait.ge [sflag:s22], s20  }
0x9f: {  	s3 =	ssub.s32 $0x0, s20;
	[sflag:s22] =	ssyncset.done $0x0  }
0xa0: {  	[sflag:s22] =	ssyncadd.s32 s3;
	_ =	sdelay $0x1  }
0xa1: {  	s23 =	simm.s32 $0x1B8B  }
0xa2: {  	_ =	swait.ge [sflag:s23], $0x1  }
0xa3: {  	[sflag:s23] =	ssyncset.done $0x0  }
0xa4: {  	s25 =	simm.s32 $0x1B8E;
	s24 =	sld [smem:$0x3FFE];
	[sflag:s23] =	ssyncadd.s32 $0xFFFFFFFF  }
0xa5: {  	s26 =	simm.s32 $execute0_lowered;
	[smem:$0x3FD2] =	sst s25  }
0xa6: {  	s4 =	sshll.u32 s26, $0x1;
	_ =	strace $0x80000046;
	[dreg:$0x1] =	wrdreg $0xFFFFFFFF  }
0xa7: {  	s28 =	simm.s32 $_size_execute0_lowered;
	s2 =	sadd.s32 s2, s4;
	[dreg:$0x0] =	wrdreg $0x0  }
0xa8: {  	s4 =	sshll.u32 s28, $0x1;
	[dreg:$0x2] =	wrdreg s2  }
0xa9: {  	[dreg:$0x3] =	wrdreg s4  }
0xaa: {  	[dreg:$0x4] =	wrdreg $0xC0  }
0xab: {  	_ =	task [dreg:s6], $0x5FFFF  }
0xac: {  	[dreg:$0x1] =	wrdreg $0xFFFFFFFF  }
0xad: {  	[dreg:$0x0] =	wrdreg $0x60  }
0xae: {  	[dreg:$0x2] =	wrdreg s24  }
0xaf: {  	[dreg:$0x3] =	wrdreg $0xA  }
0xb0: {  	_ =	task.clear_ibuf [dreg:s6], $0x4FFFF;
	_ =	strace $0x90000046  }
0xb1: {  	s29 =	simm.s32 $0xA;
	_ =	strace $0x80000048  }
0xb2: {  	_ =	swait.ge [sflag:s29], $0x1  }
0xb3: {  	[sflag:s29] =	ssyncadd.s32 $0xFFFFFFFF  }
0xb4: {  	_ =	strace $0x90000048  }
0xb5: {  	_ =	sfence  }
0xb6: {  	s30 =	sld [smem:$0x0];
	_ =	sdelay $0x2  }
0xb7: {  	s31 =	sshll.u32 s1, $0xD;
	s1 =	sshrl.u32 s1, $0x2  }
0xb8: {  	s3 =	sand.u32 $0x4000, s31;
	s1 =	sadd.s32 s1, s30  }
0xb9: {  	s0 =	sor.u32 s3, s0;
	s1 =	sshll.u32 s1, $0x11  }
0xba: {  	s0 =	sor.u32 s1, s0  }
0xbb: {  	s0 =	sadd.s32 $0x8F2B, s0  }
0xbc: {  	[sflag:s0] =	ssyncadd.remote.s32 $0x1  }
0xbd: {  	_ =	sfence.sel $0xFFFF  }
0xbe: {  	[dreg:$0x0] =	wrdreg $0xFFFFFFFF;
	(pc) =	sbr.abs _section_cstart, $3  }
0xbf: {  	[dreg:$0x1] =	wrdreg $0xFFFFFFFF  }
0xc0: {  	_ =	task.clear_ibuf [dreg:s6], $0x2FFFF;
	_ =	strace $0x9FFFFFFF  }
0xc1: {  	(tm) =	ssettm $0x7FFFFFFF  }
tec
execute0_lowered:
.L_overlay_start_1:
0x0: {  	(tag) =	ssettag $0x1  }
0x1: {  	s8 =	rddreg [dreg:$0x0];
	s1 =	stileid.u32  }
0x2: {  	s2 =	srdreg.scid;
	s0 =	rddreg [dreg:$0x1]  }
0x3: {  	_ =	strace $0x80000047;
	s5 =	simm.s32 $0x1;
	s9 =	simm.s32 $0x1  }
0x4: {  	s10 =	simm.s32 $0x3;
	s3 =	sand.u32 $0x1, s2;
	s4 =	sshll.u32 s1, $0x1  }
0x5: {  	s13 =	simm.s32 $0x0;
	s12 =	simm.s32 $0x0;
	s6 =	sor.u32 s4, s3  }
0x6: {  	s2 =	sadd.s32 $0x2E6200, s8;
	[sflag:s5] =	ssyncpa.u1 $0x0;
	s4 =	smul.u32 $0x600, s6  }
0x7: {  	s3 =	sadd.s32 $0x2F6200, s8;
	p0 =	slt.u32 s6, $0x9;
	s6 =	simm.s32 $0xC000  }
.Ltmp0:
0x8: {  	s6 =	simm.s32 @!p0 $0x0;
	s7 =	ssub.s32 $0xF000, s4;
	(pc) =	sbr.rel .LBB2_1-.Ltmp0, $4  }
0x9: {  	s9 =	simm.s32 @!p0 $0x0;
	p0 =	sne.s32 s7, s6;
	s7 =	simm.s32 $0x1  }
0xa: {  	s8 =	sadd.s32 $0xA200, s8;
	s6 =	simm.s32 $0x2;
	s7 =	simm.s32 @!p0 $0x0  }
0xb: {  	s11 =	smov.u32 s4;
	[sflag:s6] =	ssyncpa.u1 $0x0;
	s7 =	sadd.s32 s9, s7  }
0xc: {  	vm0 =	vmmov $0xffff;
	[sflag:s10] =	ssyncpa.u1 $0x0;
	s10 =	simm.s32 $0x0;
	s9 =	sadd.s32 $0x1, s7  }
.LBB2_4:
0xd: {  	v5 =	vshrl.u32 v1, $0xC;
	v6 =	vshll.u32 v1, $0x7  }
0xe: {  	vm1 =	veq.s32 v1, $0x80000000;
	v58 =	vand.u32 $0xF, v5;
	v59 =	vand.u32 $0x7FF80, v6  }
0xf: {  	v1 =	vsel vm1, $0xFFFFFFFF, v58;
	v5 =	vsel vm1, $0xFFFFFF80, v59  }
0x10: {  	v3 =	vor.u32 v4, v3;
	v60 =	vand.u32 $0xFFFFFC00, v5;
	v61 =	vand.u32 $0xFFFFFC00, v1  }
0x11: {  	v2 =	vor.u32 v2, v3;
	v63 =	vand.u32 $0x380, v5;
	v62 =	vadd.s32 v61, v60  }
0x12: {  	v1 =	vand.u32 $0x7F, v1;
	v3 =	vor.u32 v63, v62  }
0x13: {  	v1 =	vor.u32 v1, v3  }
0x14: {  	[tilespmem:s17], [sflag:$0x1] =	stream.indirect_vreg.gather [hbm4b:s2+s10], $0x1, v0, vm0, $0x4038;
	[tilespmem:$0x1800] =	vst v63  }
0x15: {  	(ifvalue) =	ssetifvalue $0x7FFFFFFF  }
0x16: {  	[tilespmem:s15], [sflag:$0x1] =	stream.indirect_vreg.gather [hbm4b:s2+s10], $0x1, v2, vm0, $0x4038;
	[tilespmem:$0x1800] =	vst v63  }
0x17: {  	s29 =	sadd.s32 $0x10, s15;
	(ifvalue) =	ssetifvalue $0x7FFFFFFF  }
0x18: {  	[tilespmem:s29], [sflag:$0x1] =	stream.indirect_vreg.gather [hbm4b:s2+s10], $0x1, v1, vm0, $0x4038;
	[tilespmem:$0x1800] =	vst v63  }
0x19: {  	_ =	swait.ge [sflag:s5], $0x600  }
0x1a: {  	s30 =	sshrl.u32 s13, $0x3;
	[sflag:s5] =	ssyncset.done $0x0  }
0x1b: {  	s31 =	sand.u32 $0x7, s13;
	s15 =	sadd.s32 s8, s30;
	[sflag:s5] =	ssyncadd.s32 $0xFFFFFA00  }
0x1c: {  	[hbm4b:s15+s31] =	stream.linear.scatter [tilespmem:s14], [sflag:$0x3], $0x600, $0x38;
	[tilespmem:$0x1800] =	vst v63  }
.LBB2_5:
0x1d: {  	s15 =	sadd.s32 $0xC000, s11  }
0x1e: {  	p1 =	sgt.s32 s15, $0xEFFF  }
0x1f: {  	s15 =	smov.u32 @p1 s4;
	p1 =	sne.s32 s12, s9  }
.Ltmp1:
0x20: {  	p0 =	slt.u32 s12, $0x2;
	(pc) =	sbr.rel @!p1 .LBB2_6-.Ltmp1, $4  }
0x21: {  	s14 =	simm.s32 @!p0 $0x3  }
0x22: {  	_ =	swait.ge @!p0 [sflag:s14], $0x600  }
0x23: {  	s16 =	sadd.s32 $0x1, s12;
	s13 =	smov.u32 s11;
	[sflag:s14] =	ssyncset.done @!p0 $0x0  }
0x24: {  	s12 =	smov.u32 s16;
	s11 =	smov.u32 s15;
	[sflag:s14] =	ssyncadd.s32 @!p0 $0xFFFFFA00  }
.LBB2_1:
0x25: {  	p0 =	sge.u32 s12, s7  }
0x26: {  	s14 =	sxor.u32 @!p0 $0x1, s12  }
0x27: {  	s14 =	smul.u32 @!p0 $0x1800, s14  }
0x28: {  	s31 =	sadd.s32 $0xFFFFFFFF, s12;
	s15 =	sshrl.u32 @!p0 s11, $0x3  }
0x29: {  	s16 =	sand.u32 @!p0 $0x7, s11;
	s15 =	sadd.s32 @!p0 s3, s15;
	s14 =	sshra.s32 @!p0 s14, $0x2  }
0x2a: {  	[tilespmem:s14], [sflag:$0x2] =	stream.linear.gather @!p0 [hbm4b:s15+s16], $0x600, $0x38;
	[tilespmem:$0x1800] =	vst v63  }
0x2b: {  	p0 =	sge.u32 s31, s7  }
.Ltmp2:
0x2c: {  	_ = 	snop;
	(pc) =	sbr.rel @p0 .LBB2_5-.Ltmp2, $1  }
0x2d: {  	_ =	sdelay $0x3  }
0x2e: {  	s14 =	sand.u32 $0x1, s12  }
0x2f: {  	_ =	swait.ge [sflag:s6], $0x600;
	p0 =	seq.s32 s14, $0x1;
	s14 =	simm.s32 $0x600  }
0x30: {  	[sflag:s6] =	ssyncset.done $0x0;
	s14 =	simm.s32 @!p0 $0x0  }
0x31: {  	[sflag:s6] =	ssyncadd.s32 $0xFFFFFA00;
	(ifvalue) =	ssetifvalue $0x7FFFFFFF;
	v0 =	vld.msk [tilespmem:s14+$0x0 ss:$0x1], $0xffff;
	_ =	sdelay $0x4  }
0x32: {  	s15 =	sadd.s32 $0x10, s14;
	v2 =	vshrl.u32 v0, $0xC;
	v3 =	vshll.u32 v0, $0x7  }
0x33: {  	v1 =	vld.msk [tilespmem:s15+$0x0 ss:$0x1], $0xffff;
	vm1 =	veq.s32 v0, $0x80000000;
	v0 =	vand.u32 $0xF, v2;
	v2 =	vand.u32 $0x7FF80, v3  }
0x34: {  	v0 =	vsel vm1, $0xFFFFFFFF, v0;
	v2 =	vsel vm1, $0xFFFFFF80, v2  }
0x35: {  	v3 =	vand.u32 $0xFFFFFC00, v2;
	v4 =	vand.u32 $0xFFFFFC00, v0  }
0x36: {  	v2 =	vand.u32 $0x380, v2;
	v3 =	vadd.s32 v4, v3  }
0x37: {  	v0 =	vand.u32 $0x7F, v0;
	v2 =	vor.u32 v2, v3  }
0x38: {  	v5 =	vshll.u32 v1, $0x7;
	v4 =	vshrl.u32 v1, $0xC;
	v0 =	vor.u32 v0, v2  }
0x39: {  	vm1 =	veq.s32 v1, $0x80000000;
	v1 =	vand.u32 $0xF, v4;
	v4 =	vand.u32 $0x7FF80, v5  }
0x3a: {  	s14 =	sadd.s32 $0xC00, s14;
	s15 =	sadd.s32 $0x10, s15;
	v3 =	vsel vm1, $0xFFFFFFFF, v1;
	v4 =	vsel vm1, $0xFFFFFF80, v4  }
0x3b: {  	s16 =	simm.s32 $0x20;
	s17 =	smov.u32 s14;
	v1 =	vld.msk [tilespmem:s15+$0x0 ss:$0x1], $0xffff;
	v5 =	vand.u32 $0xFFFFFC00, v4;
	v6 =	vand.u32 $0xFFFFFC00, v3  }
0x3c: {  	s18 =	sadd.s32 $0x10, s15;
	(ifvalue) =	ssetifvalue $0x7FFFFFFF;
	s15 =	sadd.s32 $0x10, s14;
	v2 =	vand.u32 $0x7F, v3;
	v4 =	vand.u32 $0x380, v4;
	v3 =	vadd.s32 v6, v5  }
.LBB2_3:
0x3d: {  	[tilespmem:s17], [sflag:$0x1] =	stream.indirect_vreg.gather [hbm4b:s2+s10], $0x1, v0, vm0, $0x4038;
	[tilespmem:$0x1800] =	vst v63  }
0x3e: {  	s16 =	sadd.s32 $0x10, s16  }
0x3f: {  	v3 =	vor.u32 v4, v3;
	p0 =	slt.u32 s16, $0x5F0  }
.Ltmp3:
0x40: {  	v4 =	vshrl.u32 v1, $0xC;
	v5 =	vshll.u32 v1, $0x7;
	s17 =	smov.u32 s15;
	v0 =	vor.u32 v2, v3;
	v2 =	vmovc v1;
	v1 =	vld.msk [tilespmem:s18+$0x0 ss:$0x1], $0xffff;
	(pc) =	sbr.rel @p0 .LBB2_3-.Ltmp3, $4  }
0x41: {  	v3 =	vand.u32 $0x7FF80, v5;
	vm1 =	veq.s32 v2, $0x80000000;
	v2 =	vand.u32 $0xF, v4  }
0x42: {  	v4 =	vsel vm1, $0xFFFFFFFF, v2;
	v5 =	vsel vm1, $0xFFFFFF80, v3  }
0x43: {  	v2 =	vand.u32 $0x7F, v4;
	v3 =	vand.u32 $0xFFFFFC00, v5;
	v4 =	vand.u32 $0xFFFFFC00, v4  }
0x44: {  	s15 =	sadd.s32 $0x10, s15;
	s18 =	sadd.s32 $0x10, s18;
	v3 =	vadd.s32 v4, v3;
	v4 =	vand.u32 $0x380, v5;
	(ifvalue) =	ssetifvalue $0x7FFFFFFF  }
.Ltmp4:
0x45: {  	_ = 	snop;
	(pc) =	sbr.rel .LBB2_4-.Ltmp4, $1  }
0x46: {  	_ =	sdelay $0x3  }
.LBB2_6:
0x47: {  	_ =	sfence.sel $0x180000  }
0x48: {  	s2 =	simm.s32 $0x2;
	[bflag:$0x0] =	sbarrier.arrive $0xFFFF  }
0x49: {  	s30 =	simm.s32 $0x3;
	[sflag:s2] =	ssyncpa.u1 $0x1  }
0x4a: {  	s31 =	simm.s32 $0x1;
	[sflag:s30] =	ssyncpa.u1 $0x1  }
0x4b: {  	[sflag:s31] =	ssyncpa.u1 $0x1  }
0x4c: {  	p0 =	sne.s32 s1, $0x0;
	_ =	strace $0x90000047  }
0x4d: {  	s0 =	sadd.s32 @!p0 $0x100000, s0;
	[bflag:$0x2] =	sbarrier.arrive $0xFFFF  }
0x4e: {  	[sflag:s0] =	ssyncadd.tile.s32 @!p0 $0x1;
	_ =	shalt  }
.Lfunc_end2:
_tile_overlayer_lowered:
.L_overlay_start_2:
0x4f: {  	(tag) =	ssettag $0x2  }
0x50: {  	s0 =	rddreg [dreg:$0x0];
	s2 =	stileid.u32  }
0x51: {  	s1 =	rddreg [dreg:$0x1];
	p0 =	sne.s32 s2, $0x0  }
0x52: {  	s3 =	rddreg [dreg:$0x2];
	[bflag:$0x3] =	sbarrier.arrive $0xFFFF;
	s2 =	simm.s32 @!p0 $0x1C01  }
0x53: {  	[timem:s3], [sflag:s2] =	dma.local @!p0 [hbm:s0], s1  }
0x54: {  	s0 =	simm.s32 @!p0 $0x1  }
0x55: {  	_ =	swait.ge @!p0 [sflag:s0], s1  }
0x56: {  	s1 =	ssub.s32 @!p0 $0x0, s1;
	[sflag:s0] =	ssyncset.done @!p0 $0x0  }
0x57: {  	[sflag:s0] =	ssyncadd.s32 @!p0 s1  }
0x58: {  	[bflag:$0x3] =	sbarrier.arrive $0xFFFF  }
0x59: {  	_ =	shalt  }

// kernel: gather_offload_async_start
scs
__scs_entry_jumppad:
0x0: {  	(pc) =	sbr.rel $0x88, $3  }
0x1: {  	(tag) =	ssettag $0x0;
	lr =	simm.s32 $0x1  }
0x2: {  	[smem:$0x3F9D] =	sst lr;
	_ =	strace $0xD0000000  }
0x3: {  	_ = 	snop  }
0x4: {  	_ = 	snop  }
0x5: {  	_ = 	snop  }
0x6: {  	_ = 	snop  }
0x7: {  	_ = 	snop  }
__scs_overlays_trampoline_lowered:
0x8: {  	[smem:$0x3FAC] =	sst s0  }
0x9: {  	[smem:$0x3FAD] =	sst s1  }
0xa: {  	[smem:$0x3FAE] =	sst s2  }
0xb: {  	[smem:$0x3FAF] =	sst s3  }
0xc: {  	[smem:$0x3FB0] =	sst s4  }
0xd: {  	[smem:$0x3FB1] =	sst s5  }
0xe: {  	[smem:$0x3FB2] =	sst s6  }
0xf: {  	[smem:$0x3FB3] =	sst s7  }
0x10: {  	[smem:$0x3FB4] =	sst s8  }
0x11: {  	[smem:$0x3FB5] =	sst s9;
	s0 =	simm.s32 @!p0 $0x0  }
0x12: {  	s1 =	sld [smem:$0x3F9B];
	s0 =	simm.s32 @p0 $0x1  }
0x13: {  	[smem:$0x3FB6] =	sst s0;
	s0 =	simm.s32 @!p1 $0x0  }
0x14: {  	s2 =	sld [smem:$0x3F9A];
	s0 =	simm.s32 @p1 $0x1  }
0x15: {  	[smem:$0x3FB7] =	sst s0;
	s0 =	simm.s32 @!p2 $0x0  }
0x16: {  	s3 =	sld [smem:$0x3FDB];
	s0 =	simm.s32 @p2 $0x1  }
0x17: {  	s4 =	simm.s32 $0x1BF5;
	[smem:$0x3FB9] =	sst s0  }
0x18: {  	s0 =	sld [smem:$0x3F9C];
	_ =	swait.ge [sflag:s4], $0x0  }
0x19: {  	s7 =	sld [smem:$0x3F9D]  }
0x1a: {  	s8 =	sadd.s32 $0xFFFFE003, lr  }
0x1b: {  	s9 =	sadd.s32 $0xFFFFFEF7, lr;
	s5 =	simm.s32 $0xFFFFFFFF;
	p2 =	slt.u32 s8, $0xFFFFF086  }
0x1c: {  	p1 =	slt.u32 s9, $0xF7A;
	s5 =	simm.s32 @!p2 $0x0  }
0x1d: {  	s5 =	simm.s32 @p1 $0x1;
	p0 =	seq.s32 s7, s2  }
0x1e: {  	s7 =	smul.u32 @!p0 $0xF7A, s2;
	p2 =	seq.s32 @!p0 s5, $0x0  }
0x1f: {  	s9 =	smul.u32 $0xF7A, s1;
	s8 =	simm.s32 @!p0 $0x1BF5;
	p2 =	por !p2, p0  }
0x20: {  	[sflag:s8] =	ssyncset.s32 @!p0 $0xFFFFF086;
	s6 =	sadd.s32 @!p0 s3, s7;
	s7 =	simm.s32 @!p0 $0x108  }
0x21: {  	s3 =	sadd.s32 s3, s9;
	s6 =	sadd.s32 @!p0 $0x88, s6;
	s7 =	simm.s32 @p2 $0x1082  }
0x22: {  	[simem:s7], [sflag:s8] =	dma.local @!p0 [hbm:s6], $0xF7A  }
0x23: {  	s9 =	sor.u32 $0xD0000000, s2;
	s6 =	simm.s32 $0x108;
	_ =	swait.ge @!p0 [sflag:s8], $0x0  }
0x24: {  	s3 =	sadd.s32 $0x88, s3;
	s6 =	simm.s32 @!p1 $0x1082;
	[sflag:s4] =	ssyncset.s32 $0xFFFFF086  }
0x25: {  	[simem:s6], [sflag:s4] =	dma.local [hbm:s3], $0xF7A  }
0x26: {  	[smem:$0x3F9D] =	sst s1;
	(tag) =	ssettag s2;
	_ =	strace s9  }
0x27: {  	s1 =	sld [smem:$0x3FAD]  }
0x28: {  	s2 =	sld [smem:$0x3FAE]  }
0x29: {  	s4 =	sld [smem:$0x3FB0]  }
0x2a: {  	p0 =	seq.s32 s5, $0x0;
	s5 =	sld [smem:$0x3FB1]  }
0x2b: {  	s6 =	sld [smem:$0x3FB2]  }
0x2c: {  	s7 =	sld [smem:$0x3FB3]  }
0x2d: {  	s3 =	simm.s32 $0x108;
	s8 =	sld [smem:$0x3FB4]  }
0x2e: {  	s3 =	simm.s32 @!p0 $0x1082;
	s9 =	sld [smem:$0x3FB5]  }
0x2f: {  	lr =	sadd.s32 s0, s3;
	s0 =	sld [smem:$0x3FAC]  }
0x30: {  	s3 =	sld [smem:$0x3FAF]  }
0x31: {  	[smem:$0x3FB8] =	sst s10  }
0x32: {  	s10 =	sld [smem:$0x3FB6];
	_ =	sdelay $0x3  }
0x33: {  	p0 =	seq.s32 s10, $0x1;
	s10 =	sld [smem:$0x3FB8];
	_ =	sdelay $0x3  }
0x34: {  	[smem:$0x3FB8] =	sst s10  }
0x35: {  	s10 =	sld [smem:$0x3FB7];
	_ =	sdelay $0x3  }
0x36: {  	p1 =	seq.s32 s10, $0x1;
	s10 =	sld [smem:$0x3FB8];
	_ =	sdelay $0x3  }
0x37: {  	[smem:$0x3FB8] =	sst s10  }
0x38: {  	s10 =	sld [smem:$0x3FB9]  }
0x39: {  	_ = 	snop;
	(pc) =	sbr.ind lr, $3  }
0x3a: {  	_ = 	snop  }
0x3b: {  	_ = 	snop  }
0x3c: {  	p2 =	seq.s32 s10, $0x1;
	s10 =	sld [smem:$0x3FB8]  }
0x3d: {  	_ =	shalt  }
0x3e: {  	_ =	shalt  }
0x3f: {  	_ =	shalt  }
0x40: {  	_ =	shalt  }
0x41: {  	_ =	shalt  }
0x42: {  	_ =	shalt  }
0x43: {  	_ =	shalt  }
0x44: {  	_ =	shalt  }
0x45: {  	_ =	shalt  }
0x46: {  	_ =	shalt  }
0x47: {  	_ =	shalt  }
0x48: {  	_ =	shalt  }
0x49: {  	_ =	shalt  }
0x4a: {  	_ =	shalt  }
0x4b: {  	_ =	shalt  }
0x4c: {  	_ =	shalt  }
0x4d: {  	_ =	shalt  }
0x4e: {  	_ =	shalt  }
0x4f: {  	_ =	shalt  }
0x50: {  	_ =	shalt  }
0x51: {  	_ =	shalt  }
0x52: {  	_ =	shalt  }
0x53: {  	_ =	shalt  }
0x54: {  	_ =	shalt  }
0x55: {  	_ =	shalt  }
0x56: {  	_ =	shalt  }
0x57: {  	_ =	shalt  }
0x58: {  	_ =	shalt  }
0x59: {  	_ =	shalt  }
0x5a: {  	_ =	shalt  }
0x5b: {  	_ =	shalt  }
0x5c: {  	_ =	shalt  }
0x5d: {  	_ =	shalt  }
0x5e: {  	_ =	shalt  }
0x5f: {  	_ =	shalt  }
0x60: {  	_ =	shalt  }
0x61: {  	_ =	shalt  }
0x62: {  	_ =	shalt  }
0x63: {  	_ =	shalt  }
0x64: {  	_ =	shalt  }
0x65: {  	_ =	shalt  }
0x66: {  	_ =	shalt  }
0x67: {  	_ =	shalt  }
0x68: {  	_ =	shalt  }
0x69: {  	_ =	shalt  }
0x6a: {  	_ =	shalt  }
0x6b: {  	_ =	shalt  }
0x6c: {  	_ =	shalt  }
0x6d: {  	_ =	shalt  }
0x6e: {  	_ =	shalt  }
0x6f: {  	_ =	shalt  }
0x70: {  	_ =	shalt  }
0x71: {  	_ =	shalt  }
0x72: {  	_ =	shalt  }
0x73: {  	_ =	shalt  }
0x74: {  	_ =	shalt  }
0x75: {  	_ =	shalt  }
0x76: {  	_ =	shalt  }
0x77: {  	_ =	shalt  }
0x78: {  	_ =	shalt  }
0x79: {  	_ =	shalt  }
0x7a: {  	_ =	shalt  }
0x7b: {  	_ =	shalt  }
0x7c: {  	_ =	shalt  }
0x7d: {  	_ =	shalt  }
0x7e: {  	_ =	shalt  }
0x7f: {  	_ =	shalt  }
0x80: {  	_ =	shalt  }
0x81: {  	_ =	shalt  }
0x82: {  	_ =	shalt  }
0x83: {  	_ =	shalt  }
0x84: {  	_ =	shalt  }
0x85: {  	_ =	shalt  }
0x86: {  	_ =	shalt  }
0x87: {  	_ =	shalt  }
.Lfunc_end0:
.L_simem_size_0:
called_computation_lowered:
.L_overlay_start_0:
0x88: {  	s2 =	sld [smem:$0x3FD9]  }
0x89: {  	s3 =	sld [smem:$0x3FFE];
	_ =	sdelay $0x1  }
0x8a: {  	s1 =	srdreg.scid  }
0x8b: {  	s0 =	sand.u32 $0x1, s1  }
0x8c: {  	s17 =	sshll.u32 s0, $0xA;
	s2 =	sadd.s32 s3, s2  }
0x8d: {  	s2 =	sadd.s32 s2, s17  }
0x8e: {  	[smem:$0x3FC4] =	sst s2  }
0x8f: {  	_ = 	snop  }
0x90: {  	(tm) =	ssettm $0x1  }
0x91: {  	s18 =	sld [smem:$0x3FFB];
	_ =	sdelay $0x3  }
0x92: {  	_ =	strace s18  }
0x93: {  	s2 =	sld [smem:$0x3FFC];
	_ =	sdelay $0x3  }
0x94: {  	_ =	strace s2  }
0x95: {  	s2 =	sld [smem:$0x3FFD];
	_ =	sdelay $0x3  }
0x96: {  	_ =	strace s2  }
0x97: {  	_ =	strace $0x8FFFFFFF  }
0x98: {  	s19 =	sld [smem:$0x3FDB];
	_ =	sdelay $0x1  }
0x99: {  	s20 =	simm.s32 $_scs_section_size  }
0x9a: {  	s4 =	simm.s32 $_size__tile_overlayer_lowered;
	s5 =	simm.s32 $_tile_overlayer_lowered  }
0x9b: {  	s6 =	simm.s32 $0x1BFF;
	s21 =	sshll.u32 s5, $0x1;
	s3 =	sadd.s32 s20, s19  }
0x9c: {  	s22 =	simm.s32 $0x0;
	s4 =	sshll.u32 s4, $0x1;
	s5 =	sadd.s32 s21, s3  }
0x9d: {  	[timem:s22], [sflag:s6] =	dma.local [hbm:s5], s4  }
0x9e: {  	_ =	swait.ge [sflag:s6], s4  }
0x9f: {  	s4 =	ssub.s32 $0x0, s4;
	[sflag:s6] =	ssyncset.done $0x0  }
0xa0: {  	[sflag:s6] =	ssyncadd.s32 s4;
	_ =	sdelay $0x1  }
0xa1: {  	s23 =	simm.s32 $0x1B8B  }
0xa2: {  	_ =	swait.ge [sflag:s23], $0x1  }
0xa3: {  	[sflag:s23] =	ssyncset.done $0x0  }
0xa4: {  	[sflag:s23] =	ssyncadd.s32 $0xFFFFFFFF  }
0xa5: {  	s4 =	sld [smem:$0x0]  }
0xa6: {  	s5 =	sand.u32 $0xFFFFFFFE, s1  }
0xa7: {  	p0 =	sne.s32 s1, s5  }
0xa8: {  	s5 =	sshll.u32 @p0 s5, $0xE  }
0xa9: {  	s5 =	sadd.s32 @p0 $0x11B8D, s5;
	s6 =	sshll.u32 @p0 s4, $0x11  }
0xaa: {  	s5 =	sor.u32 @p0 s6, s5  }
0xab: {  	[sflag:s5] =	ssyncadd.remote.s32 @p0 $0x1;
	_ =	sdelay $0x1  }
0xac: {  	s5 =	simm.s32 @p0 $0x1B8D  }
0xad: {  	_ =	swait.eq @p0 [sflag:s5], $0x1  }
0xae: {  	[sflag:s5] =	ssyncadd.s32 @p0 $0xFFFFFFFF  }
0xaf: {  	s6 =	sshll.u32 @!p0 s1, $0xE  }
0xb0: {  	s6 =	sor.u32 @!p0 $0x4000, s6;
	s5 =	simm.s32 @!p0 $0x1B8D  }
0xb1: {  	s4 =	sshll.u32 @!p0 s4, $0x11;
	s6 =	sadd.s32 @!p0 $0x11B8D, s6;
	_ =	swait.eq @!p0 [sflag:s5], $0x1  }
0xb2: {  	s4 =	sor.u32 @!p0 s4, s6;
	[sflag:s5] =	ssyncadd.s32 @!p0 $0xFFFFFFFF  }
0xb3: {  	s25 =	simm.s32 $0x1B8E;
	s24 =	sld [smem:$0x3FFE];
	[sflag:s4] =	ssyncadd.remote.s32 @!p0 $0x1  }
0xb4: {  	s26 =	simm.s32 $execute0_lowered;
	[smem:$0x3FD2] =	sst s25  }
0xb5: {  	s5 =	sshll.u32 s26, $0x1;
	_ =	strace $0x80000049;
	[dreg:$0x1] =	wrdreg $0xFFFFFFFF  }
0xb6: {  	s28 =	simm.s32 $_size_execute0_lowered;
	s3 =	sadd.s32 s3, s5;
	[dreg:$0x0] =	wrdreg $0x0  }
0xb7: {  	s5 =	sshll.u32 s28, $0x1;
	[dreg:$0x2] =	wrdreg s3  }
0xb8: {  	[dreg:$0x3] =	wrdreg s5  }
0xb9: {  	[dreg:$0x4] =	wrdreg $0xC0  }
0xba: {  	_ =	task [dreg:s22], $0x5FFFF  }
0xbb: {  	[dreg:$0x1] =	wrdreg $0xFFFFFFFF  }
0xbc: {  	[dreg:$0x0] =	wrdreg $0x60  }
0xbd: {  	[dreg:$0x2] =	wrdreg s24  }
0xbe: {  	[dreg:$0x3] =	wrdreg $0x9  }
0xbf: {  	_ =	task.clear_ibuf [dreg:s22], $0x4FFFF;
	_ =	strace $0x90000049  }
0xc0: {  	s29 =	simm.s32 $0x9;
	_ =	strace $0x8000004B  }
0xc1: {  	_ =	swait.ge [sflag:s29], $0x1  }
0xc2: {  	[sflag:s29] =	ssyncadd.s32 $0xFFFFFFFF  }
0xc3: {  	_ =	strace $0x9000004B  }
0xc4: {  	_ =	sfence  }
0xc5: {  	s30 =	sld [smem:$0x0];
	_ =	sdelay $0x2  }
0xc6: {  	s31 =	sshll.u32 s1, $0xD;
	s1 =	sshrl.u32 s1, $0x2  }
0xc7: {  	s4 =	sand.u32 $0x4000, s31;
	s1 =	sadd.s32 s1, s30  }
0xc8: {  	s0 =	sor.u32 s4, s0;
	s1 =	sshll.u32 s1, $0x11  }
0xc9: {  	s0 =	sor.u32 s1, s0  }
0xca: {  	s0 =	sadd.s32 $0x8F2B, s0  }
0xcb: {  	[sflag:s0] =	ssyncadd.remote.s32 $0x1  }
0xcc: {  	_ =	sfence.sel $0xFFFF  }
0xcd: {  	[dreg:$0x0] =	wrdreg $0xFFFFFFFF;
	(pc) =	sbr.abs _section_cstart, $3  }
0xce: {  	[dreg:$0x1] =	wrdreg $0xFFFFFFFF  }
0xcf: {  	_ =	task.clear_ibuf [dreg:s22], $0x2FFFF;
	_ =	strace $0x9FFFFFFF  }
0xd0: {  	(tm) =	ssettm $0x7FFFFFFF  }
0xd1: {  	_ =	shalt  }
tec
execute0_lowered:
.L_overlay_start_1:
0x0: {  	(tag) =	ssettag $0x1  }
0x1: {  	s7 =	rddreg [dreg:$0x0]  }
0x2: {  	s1 =	srdreg.scid;
	s0 =	rddreg [dreg:$0x1]  }
0x3: {  	_ =	strace $0x8000004A;
	s3 =	simm.s32 $0x1;
	s5 =	simm.s32 $0x2  }
0x4: {  	s9 =	simm.s32 $0x3;
	s11 =	simm.s32 $0x0;
	s2 =	sshll.u32 s1, $0x4  }
.Ltmp0:
0x5: {  	s1 =	stileid.u32;
	s4 =	sand.u32 $0x10, s2;
	(pc) =	sbr.rel .LBB2_1-.Ltmp0, $4  }
0x6: {  	p0 =	por $0x0, $0x0;
	[sflag:s3] =	ssyncpa.u1 $0x0;
	s4 =	sor.u32 s1, s4  }
0x7: {  	s6 =	sadd.s32 $0x2F6200, s7;
	[sflag:s5] =	ssyncpa.u1 $0x0;
	s4 =	smul.u32 $0x780, s4  }
0x8: {  	s2 =	sadd.s32 $0x166200, s7;
	s7 =	sadd.s32 $0x2F8000, s7;
	[sflag:s9] =	ssyncpa.u1 $0x0  }
0x9: {  	vm0 =	vmmov $0xff;
	vm1 =	vcmask $0x3F20;
	s9 =	simm.s32 $0x0;
	s8 =	sadd.s32 $0x780, s4;
	s10 =	smov.u32 s4  }
.LBB2_6:
0xa: {  	[hbm:s15] =	stream.linear.scatter [tilespmem:s12], [sflag:$0x3], $0x400, $0x38;
	[tilespmem:$0x18300] =	vst v63  }
.LBB2_7:
0xb: {  	p1 =	slt.u32 s9, $0x2;
	s11 =	sadd.s32 $0x180, s10  }
0xc: {  	s13 =	smov.u32 s4;
	s9 =	sadd.s32 $0x1, s9;
	p2 =	slt.s32 s11, s8  }
0xd: {  	s13 =	smov.u32 @p2 s11;
	p2 =	sne.s32 s9, $0x7  }
.Ltmp1:
0xe: {  	_ = 	snop;
	(pc) =	sbr.rel @!p2 .LBB2_8-.Ltmp1, $4  }
0xf: {  	s12 =	simm.s32 @!p1 $0x3  }
0x10: {  	_ =	swait.ge @!p1 [sflag:s12], $0xC000  }
0x11: {  	p0 =	por !p0, !p0;
	[sflag:s12] =	ssyncset.done @!p1 $0x0  }
0x12: {  	s11 =	smov.u32 s10;
	s10 =	smov.u32 s13;
	[sflag:s12] =	ssyncadd.s32 @!p1 $0xFFFF4000  }
.LBB2_1:
0x13: {  	p1 =	sgt.u32 s9, $0x4  }
0x14: {  	s12 =	sxor.u32 @!p1 $0xFFFFFFFF, s9  }
0x15: {  	s12 =	sand.u32 @!p1 $0x1, s12  }
0x16: {  	s12 =	smul.u32 @!p1 $0x600, s12  }
0x17: {  	s31 =	sadd.s32 $0xFFFFFFFF, s9;
	s13 =	sshrl.u32 @!p1 s10, $0x3  }
0x18: {  	s14 =	sand.u32 @!p1 $0x7, s10;
	s13 =	sadd.s32 @!p1 s6, s13;
	s12 =	sshrl.u32 @!p1 s12, $0x2  }
0x19: {  	[tilespmem:s12], [sflag:$0x2] =	stream.linear.gather @!p1 [hbm4b:s13+s14], $0x180, $0x38;
	[tilespmem:$0x18300] =	vst v63  }
0x1a: {  	p1 =	sgt.u32 s31, $0x4  }
.Ltmp2:
0x1b: {  	_ = 	snop;
	(pc) =	sbr.rel @p1 .LBB2_7-.Ltmp2, $1  }
0x1c: {  	_ =	sdelay $0x3  }
0x1d: {  	s12 =	simm.s32 $0x1  }
0x1e: {  	s12 =	simm.s32 @!p0 $0x0  }
0x1f: {  	s13 =	smul.u32 $0x600, s12  }
0x20: {  	_ =	swait.ge [sflag:s5], $0x180  }
0x21: {  	[sflag:s5] =	ssyncset.done $0x0;
	s14 =	sshrl.u32 s13, $0x2  }
0x22: {  	[sflag:s5] =	ssyncadd.s32 $0xFFFFFE80;
	s13 =	sadd.s32 $0x0, s14  }
0x23: {  	v0 =	vld.msk [tilespmem:s13+$0x0 ss:$0x1], $0xffff;
	_ =	sdelay $0x4  }
0x24: {  	v1 =	vshll.u32 v0, $0x7  }
0x25: {  	vm2 =	veq.s32 v0, $0x80000000;
	v0 =	vand.u32 $0x7FF80, v1  }
0x26: {  	v1 =	vand.u32 $0x780000, v1;
	v0 =	vsel vm2, $0xFFFFFF80, v0  }
0x27: {  	v1 =	vsel vm2, $0xFFF80000, v1;
	v2 =	vand.u32 $0xFFFFFC00, v0  }
0x28: {  	v0 =	vand.u32 $0x380, v0;
	v1 =	vadd.s32 v1, v2  }
0x29: {  	v0 =	vor.u32 v0, v1  }
0x2a: {  	v0 =	vshrl.u32 v0, $0x3  }
0x2b: {  	s12 =	smul.u32 $0x30000, s12;
	_ =	sdelay $0x1  }
0x2c: {  	s12 =	sshrl.u32 s12, $0x2  }
0x2d: {  	s12 =	sor.u32 $0x300, s12  }
0x2e: {  	[tilespmem:s12], [sflag:$0x1] =	stream.indirect_vreg.gather [hbm:s2], $0x80, v0, vm0, $0x38;
	[tilespmem:$0x18300] =	vst v63  }
0x2f: {  	s15 =	sadd.s32 $0x10, s14;
	s13 =	sadd.s32 $0x400, s12  }
0x30: {  	[tilespmem:s13], [sflag:$0x1] =	stream.indirect_vreg.gather [hbm:s2], $0x80, v0, vm1, $0x38;
	[tilespmem:$0x18300] =	vst v63  }
0x31: {  	s16 =	simm.s32 $0x80;
	v0 =	vld.msk [tilespmem:s15+$0x0 ss:$0x1], $0xffff;
	s15 =	smov.u32 s12  }
.LBB2_3:
0x32: {  	p1 =	sne.s32 s16, $0x5C0;
	_ =	sdelay $0x4  }
0x33: {  	v1 =	vshll.u32 v0, $0x7  }
0x34: {  	vm2 =	veq.s32 v0, $0x80000000;
	v0 =	vand.u32 $0x7FF80, v1  }
0x35: {  	v1 =	vand.u32 $0x780000, v1;
	v0 =	vsel vm2, $0xFFFFFF80, v0  }
0x36: {  	v1 =	vsel vm2, $0xFFF80000, v1;
	v2 =	vand.u32 $0xFFFFFC00, v0  }
0x37: {  	v0 =	vand.u32 $0x380, v0;
	v1 =	vadd.s32 v1, v2  }
0x38: {  	v0 =	vor.u32 v0, v1  }
0x39: {  	v0 =	vshrl.u32 v0, $0x3;
	_ =	sdelay $0x3  }
.Ltmp3:
0x3a: {  	s17 =	sshra.s32 s16, $0x2;
	s15 =	sadd.s32 $0x800, s15;
	(pc) =	sbr.rel @p1 .LBB2_3-.Ltmp3, $4  }
0x3b: {  	[tilespmem:s15], [sflag:$0x1] =	stream.indirect_vreg.gather [hbm:s2], $0x80, v0, vm0, $0x38;
	[tilespmem:$0x18300] =	vst v63  }
0x3c: {  	s17 =	sadd.s32 s17, s14;
	s18 =	sadd.s32 $0x400, s15  }
0x3d: {  	[tilespmem:s18], [sflag:$0x1] =	stream.indirect_vreg.gather [hbm:s2], $0x80, v0, vm1, $0x38;
	[tilespmem:$0x18300] =	vst v63  }
0x3e: {  	s16 =	sadd.s32 $0x40, s16;
	v0 =	vld.msk [tilespmem:s17+$0x0 ss:$0x1], $0xffff  }
0x3f: {  	_ =	sdelay $0x3  }
0x40: {  	v1 =	vshll.u32 v0, $0x7  }
0x41: {  	vm2 =	veq.s32 v0, $0x80000000;
	v63 =	vand.u32 $0x7FF80, v1  }
0x42: {  	v1 =	vand.u32 $0x780000, v1;
	v0 =	vsel vm2, $0xFFFFFF80, v63  }
0x43: {  	v1 =	vsel vm2, $0xFFF80000, v1;
	v2 =	vand.u32 $0xFFFFFC00, v0  }
0x44: {  	v0 =	vand.u32 $0x380, v0;
	v1 =	vadd.s32 v1, v2  }
0x45: {  	v0 =	vor.u32 v0, v1  }
0x46: {  	v0 =	vshrl.u32 v0, $0x3;
	_ =	sdelay $0x3  }
0x47: {  	s14 =	sadd.s32 $0x800, s15  }
0x48: {  	[tilespmem:s14], [sflag:$0x1] =	stream.indirect_vreg.gather [hbm:s2], $0x80, v0, vm0, $0x38;
	[tilespmem:$0x18300] =	vst v63  }
0x49: {  	s14 =	sadd.s32 $0x400, s14  }
0x4a: {  	[tilespmem:s14], [sflag:$0x1] =	stream.indirect_vreg.gather [hbm:s2], $0x80, v0, vm1, $0x38;
	[tilespmem:$0x18300] =	vst v63  }
0x4b: {  	s11 =	sshll.u32 s11, $0x4;
	_ =	swait.ge [sflag:s3], $0xC000  }
0x4c: {  	s11 =	sadd.s32 s11, s7;
	[sflag:s3] =	ssyncset.done $0x0  }
0x4d: {  	s15 =	sadd.s32 $0x0, s11;
	s14 =	simm.s32 $0x80;
	[sflag:s3] =	ssyncadd.s32 $0xFFFF4000  }
.LBB2_5:
0x4e: {  	[hbm:s15] =	stream.linear.scatter [tilespmem:s12], [sflag:$0x3], $0x400, $0x38;
	[tilespmem:$0x18300] =	vst v63  }
0x4f: {  	s15 =	smov.u32 s14;
	s12 =	smov.u32 s13;
	p1 =	sne.s32 s14, $0x1780  }
.Ltmp4:
0x50: {  	s14 =	sadd.s32 $0x80, s14;
	(pc) =	sbr.rel @p1 .LBB2_5-.Ltmp4, $2  }
0x51: {  	_ =	sdelay $0x2  }
0x52: {  	s13 =	sadd.s32 $0x400, s13;
	s15 =	sadd.s32 s15, s11  }
.Ltmp5:
0x53: {  	_ = 	snop;
	(pc) =	sbr.rel .LBB2_6-.Ltmp5, $1  }
0x54: {  	_ =	sdelay $0x3  }
.LBB2_8:
0x55: {  	_ =	sfence.sel $0x180000  }
0x56: {  	s2 =	simm.s32 $0x2;
	[bflag:$0x0] =	sbarrier.arrive $0xFFFF  }
0x57: {  	s30 =	simm.s32 $0x3;
	[sflag:s2] =	ssyncpa.u1 $0x1  }
0x58: {  	s31 =	simm.s32 $0x1;
	[sflag:s30] =	ssyncpa.u1 $0x1  }
0x59: {  	[sflag:s31] =	ssyncpa.u1 $0x1  }
0x5a: {  	p0 =	sne.s32 s1, $0x0;
	_ =	strace $0x9000004A  }
0x5b: {  	s0 =	sadd.s32 @!p0 $0x100000, s0;
	[bflag:$0x2] =	sbarrier.arrive $0xFFFF  }
0x5c: {  	[sflag:s0] =	ssyncadd.tile.s32 @!p0 $0x1;
	_ =	shalt  }
.Lfunc_end2:
_tile_overlayer_lowered:
.L_overlay_start_2:
0x5d: {  	(tag) =	ssettag $0x2  }
0x5e: {  	s0 =	rddreg [dreg:$0x0];
	s2 =	stileid.u32  }
0x5f: {  	s1 =	rddreg [dreg:$0x1];
	p0 =	sne.s32 s2, $0x0  }
0x60: {  	s3 =	rddreg [dreg:$0x2];
	[bflag:$0x3] =	sbarrier.arrive $0xFFFF;
	s2 =	simm.s32 @!p0 $0x1C01  }
0x61: {  	[timem:s3], [sflag:s2] =	dma.local @!p0 [hbm:s0], s1  }
0x62: {  	s0 =	simm.s32 @!p0 $0x1  }
0x63: {  	_ =	swait.ge @!p0 [sflag:s0], s1  }
0x64: {  	s1 =	ssub.s32 @!p0 $0x0, s1;
	[sflag:s0] =	ssyncset.done @!p0 $0x0  }
0x65: {  	[sflag:s0] =	ssyncadd.s32 @!p0 s1  }
0x66: {  	[bflag:$0x3] =	sbarrier.arrive $0xFFFF  }
0x67: {  	_ =	shalt  }

</sc_bundles>
